<compile_context>
chip_gen: v7x
topology: tpu7x:2x2x1
jax: 0.10.2.dev20260603
libtpu: 0.0.44.dev20260713+nightly
codegen_flags: <defaults>
</compile_context>

<pallas_src>
import functools

import jax
import jax.numpy as jnp
from jax import lax
from jax.experimental import pallas as pl
from jax.experimental.pallas import tpu as pltpu
from jax.experimental.pallas import tpu_sc as plsc

N = 10000
E = 160000
FEAT = 256
EMB = 256
HALF = EMB // 2

NC, NS, L = 2, 16, 16
CH = 128
EP = 163840
NCHUNK = EP // CH
CPT = NCHUNK // NS
NBUF = 2
GRP = 8
NP = 10240
DEG_ROWS = NP // NS
ACC_ROWS = NP // NS

_mesh = functools.partial(
    plsc.VectorSubcoreMesh, core_axis_name="c", subcore_axis_name="s"
)


def _deg_body(dst_hbm, deg_hbm, ones_v, dst_all, deg_sh, sem):
    c = lax.axis_index("c")
    s = lax.axis_index("s")

    @pl.when(c == 0)
    def _():
        for i in range(128 // L):
            ones_v[pl.ds(i * L, L)] = jnp.ones((L,), jnp.float32)
        pltpu.sync_copy(dst_hbm.at[pl.ds(s * CPT, CPT)], dst_all)
        base = s * DEG_ROWS
        for j in range(DEG_ROWS // 128):
            pltpu.sync_copy(ones_v, deg_sh.at[pl.ds(base + j * 128, 128)])
        plsc.subcore_barrier()

        ones_c = ones_v.at[pl.ds(0, CH)]

        def group(g, carry):
            for j in range(GRP):
                pltpu.async_copy(
                    ones_c, deg_sh.at[dst_all.at[g * GRP + j]], sem, add=True
                )
            for j in range(GRP):
                pltpu.make_async_copy(
                    ones_c, deg_sh.at[dst_all.at[g * GRP + j]], sem
                ).wait()
            return carry

        lax.fori_loop(0, CPT // GRP, group, 0)
        plsc.subcore_barrier()
        pltpu.sync_copy(
            deg_sh.at[pl.ds(base, DEG_ROWS)], deg_hbm.at[pl.ds(base, DEG_ROWS)]
        )


def _degree(dst2):
    run = pl.kernel(
        _deg_body,
        out_type=jax.ShapeDtypeStruct((NP,), jnp.float32),
        mesh=_mesh(),
        scratch_types=[
            pltpu.VMEM((128,), jnp.float32),
            pltpu.VMEM((CPT, CH), jnp.int32),
            pltpu.VMEM_SHARED((NP,), jnp.float32),
            pltpu.SemaphoreType.DMA,
        ],
    )
    return run(dst2)


def _gemm_body(x_ref, w_ref, deg_ref, h0_ref, h1_ref):
    h = lax.dot_general(
        x_ref[...], w_ref[...], (((1,), (1,)), ((), ())),
        preferred_element_type=jnp.float32,
    )
    h = h * lax.rsqrt(deg_ref[...])
    h0_ref[...] = h[:, :HALF]
    h1_ref[...] = h[:, HALF:]


def _gemm_scaled(x, W, deg):
    R = 1024
    return pl.pallas_call(
        _gemm_body,
        grid=(NP // R,),
        in_specs=[
            pl.BlockSpec((R, FEAT), lambda i: (i, 0)),
            pl.BlockSpec((EMB, FEAT), lambda i: (0, 0)),
            pl.BlockSpec((R, 1), lambda i: (i, 0)),
        ],
        out_specs=[
            pl.BlockSpec((R, HALF), lambda i: (i, 0)),
            pl.BlockSpec((R, HALF), lambda i: (i, 0)),
        ],
        out_shape=[jax.ShapeDtypeStruct((NP, HALF), jnp.float32)] * 2,
    )(x, W, deg)


def _spmm_body(ed_hbm, h0_hbm, h1_hbm, a0_hbm, a1_hbm,
               ed2, rows, acc_sh, sem_i, sem_g, sem_s):
    c = lax.axis_index("c")
    s = lax.axis_index("s")
    base = s * ACC_ROWS

    def half(h_hbm, out_hbm):
        def stage_start(j, p):
            pltpu.async_copy(ed_hbm.at[pl.ds(j * NS + s, 1)],
                             ed2.at[pl.ds(p, 1)], sem_i.at[p])

        def stage_wait(j, p):
            pltpu.make_async_copy(ed_hbm.at[pl.ds(j * NS + s, 1)],
                                  ed2.at[pl.ds(p, 1)], sem_i.at[p]).wait()

        def gather_start(p):
            pltpu.async_copy(h_hbm.at[ed2.at[p, 0]], rows.at[p], sem_g.at[p])

        def gather_wait(p):
            pltpu.make_async_copy(
                h_hbm.at[ed2.at[p, 0]], rows.at[p], sem_g.at[p]
            ).wait()

        def scatter_start(p):
            pltpu.async_copy(
                rows.at[p], acc_sh.at[ed2.at[p, 1]], sem_s.at[p], add=True
            )

        def scatter_wait(p):
            pltpu.make_async_copy(
                rows.at[p], acc_sh.at[ed2.at[p, 1]], sem_s.at[p]
            ).wait()

        stage_start(0, 0)
        pltpu.sync_copy(
            h_hbm.at[pl.ds(base, ACC_ROWS)], acc_sh.at[pl.ds(base, ACC_ROWS)]
        )
        plsc.subcore_barrier()

        def pair(q, carry):
            for p in range(NBUF):
                j = q * NBUF + p
                stage_wait(j, p)
                gather_start(p)

                @pl.when(j >= 1)
                def _():
                    scatter_wait(1 - p)

                @pl.when(j + 1 < CPT)
                def _():
                    stage_start(j + 1, 1 - p)

                gather_wait(p)
                scatter_start(p)

            return carry

        lax.fori_loop(0, CPT // NBUF, pair, 0)
        scatter_wait((CPT - 1) % NBUF)

        plsc.subcore_barrier()
        pltpu.sync_copy(
            acc_sh.at[pl.ds(base, ACC_ROWS)], out_hbm.at[pl.ds(base, ACC_ROWS)]
        )

    @pl.when(c == 0)
    def _():
        half(h0_hbm, a0_hbm)

    @pl.when(c == 1)
    def _():
        half(h1_hbm, a1_hbm)


def _spmm(ed3, h0, h1):
    run = pl.kernel(
        _spmm_body,
        out_type=[jax.ShapeDtypeStruct((NP, HALF), jnp.float32)] * 2,
        mesh=_mesh(),
        scratch_types=[
            pltpu.VMEM((NBUF, 2, CH), jnp.int32),
            pltpu.VMEM((NBUF, CH, HALF), jnp.float32),
            pltpu.VMEM_SHARED((NP, HALF), jnp.float32),
            pltpu.SemaphoreType.DMA((NBUF,)),
            pltpu.SemaphoreType.DMA((NBUF,)),
            pltpu.SemaphoreType.DMA((NBUF,)),
        ],
    )
    return run(ed3, h0, h1)


def _combine_body(a0_ref, a1_ref, deg_ref, out_ref):
    isd = lax.rsqrt(deg_ref[...])
    out_ref[:, :HALF] = a0_ref[...] * isd
    out_ref[:, HALF:] = a1_ref[...] * isd


def _combine(a0, a1, deg):
    R = 1000
    return pl.pallas_call(
        _combine_body,
        grid=(N // R,),
        in_specs=[
            pl.BlockSpec((R, HALF), lambda i: (i, 0)),
            pl.BlockSpec((R, HALF), lambda i: (i, 0)),
            pl.BlockSpec((R, 1), lambda i: (i, 0)),
        ],
        out_specs=pl.BlockSpec((R, EMB), lambda i: (i, 0)),
        out_shape=jax.ShapeDtypeStruct((N, EMB), jnp.float32),
    )(a0, a1, deg)


def kernel(x, edge_index, W):
    src = edge_index[0].astype(jnp.int32)
    dst = edge_index[1].astype(jnp.int32)
    pad = EP - E
    src1 = jnp.concatenate([src, jnp.zeros((pad,), jnp.int32)])
    dst1 = jnp.concatenate([dst, jnp.full((pad,), NP - 1, jnp.int32)])
    ed3 = jnp.stack(
        [src1.reshape(NCHUNK, CH), dst1.reshape(NCHUNK, CH)], axis=1)
    deg = _degree(dst1.reshape(NCHUNK, CH)).reshape(NP, 1)
    h0, h1 = _gemm_scaled(x, W, deg)
    a0, a1 = _spmm(ed3, h0, h1)
    return _combine(a0, a1, deg)

# --- scband reference (transcript-rebuilt; emitter-appended) ---
"""Pipeline reference for scband-fused-gcnlayer-35210141893096 (READ-ONLY COPY).

The authoritative reference and input builder live on the scoring server;
editing this copy changes nothing except your own understanding.
"""

import jax, jax.numpy as jnp
import numpy as np

N_NODES = 10000
N_EDGES = 160000
FEAT_DIM = 256
EMBED_DIM = 256


def setup_inputs(seed: int = 0) -> dict:
    key = jax.random.key(seed)
    k1, k2, k3 = jax.random.split(key, 3)
    x = jax.random.normal(k1, (N_NODES, FEAT_DIM), dtype=jnp.float32)
    edge_index = jax.random.randint(k2, (2, N_EDGES), 0, N_NODES, dtype=jnp.int64 if jax.config.jax_enable_x64 else jnp.int32)
    # xavier_uniform init for weight of shape (embed_dim, feat_dim), matching torch.nn.init.xavier_uniform_
    a = float(np.sqrt(6.0 / (EMBED_DIM + FEAT_DIM)))
    W = jax.random.uniform(k3, (EMBED_DIM, FEAT_DIM), dtype=jnp.float32, minval=-a, maxval=a)
    return {"x": x, "edge_index": edge_index, "W": W}


def reference(x, edge_index, W):
    # Fused GeMM + SpMM GCN layer: out = A_hat @ (x @ W^T)
    # where A_hat is the symmetrically-normalized adjacency with self-loops
    # (this is the precomputed sparse `adj` consumed by the fused kernel).
    N = x.shape[0]
    src = edge_index[0]
    dst = edge_index[1]
    loop = jnp.arange(N, dtype=src.dtype)
    src = jnp.concatenate([src, loop])
    dst = jnp.concatenate([dst, loop])
    # degree of A + I (in-degree over dst)
    deg = jnp.zeros((N,), dtype=x.dtype).at[dst].add(1.0)
    inv_sqrt_deg = jax.lax.rsqrt(deg)
    norm = inv_sqrt_deg[src] * inv_sqrt_deg[dst]
    # GeMM: dense feature transform
    h = x @ W.T
    # SpMM: gather messages along edges, scale, scatter-add into dst nodes
    msg = jnp.take(h, src, axis=0) * norm[:, None]
    out = jax.ops.segment_sum(msg, dst, num_segments=N)
    return out

if __name__ == "__main__":
    import jax
    _d = setup_inputs()
    print(jax.jit(kernel)(*tuple(_d.values())))

</pallas_src>

<mosaic_0001>
#map = affine_map<(d0, d1) -> (0, 0)>
#map1 = affine_map<(d0, d1) -> (0)>
module attributes {stable_mosaic.version = 14 : i64} {
  func.func @_deg_body(%arg0: i32, %arg1: i32, %arg2: memref<1280x128xi32, #tpu.memory_space<hbm>>, %arg3: memref<10240xf32, #tpu.memory_space<hbm>>, %arg4: memref<128xf32, #tpu.memory_space<vmem>>, %arg5: memref<80x128xi32, #tpu.memory_space<vmem>>, %arg6: memref<10240xf32, #tpu.memory_space<vmem_shared>>, %arg7: memref<!tpu.dma_semaphore, #tpu.memory_space<semaphore_mem>>) attributes {dimension_semantics = [#tpu.dimension_semantics<core_parallel>, #tpu.dimension_semantics<subcore_parallel>], iteration_bounds = array<i64: 2, 16>, scalar_prefetch = 0 : i64, scratch_operands = 4 : i64, tpu.core_type = #tpu.core_type<sc_vector_subcore>, window_params = [{transform_indices = #map}, {transform_indices = #map1}]} {
    %eq3A = arith.constant 0 : i32
    %eq3A_0 = arith.cmpi eq, %arg0, %eq3A : i32
    %convert_element_type3A = arith.extui %eq3A_0 : i1 to i32
    %cond3A = arith.constant 0 : i32
    %cond3A_1 = arith.cmpi ne, %convert_element_type3A, %cond3A : i32
    scf.if %cond3A_1 {
      %broadcast_in_dim3A = arith.constant 1.000000e+00 : f32
      %broadcast_in_dim3A_2 = vector.broadcast %broadcast_in_dim3A : f32 to vector<16xf32>
      %swap3A = arith.constant 0 : index
      %swap3A_3 = tpu.vector_load %arg4[%swap3A] {strides = array<i32>} : memref<128xf32, #tpu.memory_space<vmem>>, vector<16xf32>,
      %swap3A_4 = vector.shape_cast %swap3A_3 : vector<16xf32> to vector<16xf32>
      %swap3A_5 = vector.shape_cast %broadcast_in_dim3A_2 : vector<16xf32> to vector<16xf32>
      tpu.vector_store %arg4[%swap3A], %swap3A_5 {strides = array<i32>} : memref<128xf32, #tpu.memory_space<vmem>>, vector<16xf32>,
      %broadcast_in_dim3A_6 = arith.constant 1.000000e+00 : f32
      %broadcast_in_dim3A_7 = vector.broadcast %broadcast_in_dim3A_6 : f32 to vector<16xf32>
      %swap3A_8 = arith.constant 16 : index
      %swap3A_9 = tpu.vector_load %arg4[%swap3A_8] {strides = array<i32>} : memref<128xf32, #tpu.memory_space<vmem>>, vector<16xf32>,
      %swap3A_10 = vector.shape_cast %swap3A_9 : vector<16xf32> to vector<16xf32>
      %swap3A_11 = vector.shape_cast %broadcast_in_dim3A_7 : vector<16xf32> to vector<16xf32>
      tpu.vector_store %arg4[%swap3A_8], %swap3A_11 {strides = array<i32>} : memref<128xf32, #tpu.memory_space<vmem>>, vector<16xf32>,
      %broadcast_in_dim3A_12 = arith.constant 1.000000e+00 : f32
      %broadcast_in_dim3A_13 = vector.broadcast %broadcast_in_dim3A_12 : f32 to vector<16xf32>
      %swap3A_14 = arith.constant 32 : index
      %swap3A_15 = tpu.vector_load %arg4[%swap3A_14] {strides = array<i32>} : memref<128xf32, #tpu.memory_space<vmem>>, vector<16xf32>,
      %swap3A_16 = vector.shape_cast %swap3A_15 : vector<16xf32> to vector<16xf32>
      %swap3A_17 = vector.shape_cast %broadcast_in_dim3A_13 : vector<16xf32> to vector<16xf32>
      tpu.vector_store %arg4[%swap3A_14], %swap3A_17 {strides = array<i32>} : memref<128xf32, #tpu.memory_space<vmem>>, vector<16xf32>,
      %broadcast_in_dim3A_18 = arith.constant 1.000000e+00 : f32
      %broadcast_in_dim3A_19 = vector.broadcast %broadcast_in_dim3A_18 : f32 to vector<16xf32>
      %swap3A_20 = arith.constant 48 : index
      %swap3A_21 = tpu.vector_load %arg4[%swap3A_20] {strides = array<i32>} : memref<128xf32, #tpu.memory_space<vmem>>, vector<16xf32>,
      %swap3A_22 = vector.shape_cast %swap3A_21 : vector<16xf32> to vector<16xf32>
      %swap3A_23 = vector.shape_cast %broadcast_in_dim3A_19 : vector<16xf32> to vector<16xf32>
      tpu.vector_store %arg4[%swap3A_20], %swap3A_23 {strides = array<i32>} : memref<128xf32, #tpu.memory_space<vmem>>, vector<16xf32>,
      %broadcast_in_dim3A_24 = arith.constant 1.000000e+00 : f32
      %broadcast_in_dim3A_25 = vector.broadcast %broadcast_in_dim3A_24 : f32 to vector<16xf32>
      %swap3A_26 = arith.constant 64 : index
      %swap3A_27 = tpu.vector_load %arg4[%swap3A_26] {strides = array<i32>} : memref<128xf32, #tpu.memory_space<vmem>>, vector<16xf32>,
      %swap3A_28 = vector.shape_cast %swap3A_27 : vector<16xf32> to vector<16xf32>
      %swap3A_29 = vector.shape_cast %broadcast_in_dim3A_25 : vector<16xf32> to vector<16xf32>
      tpu.vector_store %arg4[%swap3A_26], %swap3A_29 {strides = array<i32>} : memref<128xf32, #tpu.memory_space<vmem>>, vector<16xf32>,
      %broadcast_in_dim3A_30 = arith.constant 1.000000e+00 : f32
      %broadcast_in_dim3A_31 = vector.broadcast %broadcast_in_dim3A_30 : f32 to vector<16xf32>
      %swap3A_32 = arith.constant 80 : index
      %swap3A_33 = tpu.vector_load %arg4[%swap3A_32] {strides = array<i32>} : memref<128xf32, #tpu.memory_space<vmem>>, vector<16xf32>,
      %swap3A_34 = vector.shape_cast %swap3A_33 : vector<16xf32> to vector<16xf32>
      %swap3A_35 = vector.shape_cast %broadcast_in_dim3A_31 : vector<16xf32> to vector<16xf32>
      tpu.vector_store %arg4[%swap3A_32], %swap3A_35 {strides = array<i32>} : memref<128xf32, #tpu.memory_space<vmem>>, vector<16xf32>,
      %broadcast_in_dim3A_36 = arith.constant 1.000000e+00 : f32
      %broadcast_in_dim3A_37 = vector.broadcast %broadcast_in_dim3A_36 : f32 to vector<16xf32>
      %swap3A_38 = arith.constant 96 : index
      %swap3A_39 = tpu.vector_load %arg4[%swap3A_38] {strides = array<i32>} : memref<128xf32, #tpu.memory_space<vmem>>, vector<16xf32>,
      %swap3A_40 = vector.shape_cast %swap3A_39 : vector<16xf32> to vector<16xf32>
      %swap3A_41 = vector.shape_cast %broadcast_in_dim3A_37 : vector<16xf32> to vector<16xf32>
      tpu.vector_store %arg4[%swap3A_38], %swap3A_41 {strides = array<i32>} : memref<128xf32, #tpu.memory_space<vmem>>, vector<16xf32>,
      %broadcast_in_dim3A_42 = arith.constant 1.000000e+00 : f32
      %broadcast_in_dim3A_43 = vector.broadcast %broadcast_in_dim3A_42 : f32 to vector<16xf32>
      %swap3A_44 = arith.constant 112 : index
      %swap3A_45 = tpu.vector_load %arg4[%swap3A_44] {strides = array<i32>} : memref<128xf32, #tpu.memory_space<vmem>>, vector<16xf32>,
      %swap3A_46 = vector.shape_cast %swap3A_45 : vector<16xf32> to vector<16xf32>
      %swap3A_47 = vector.shape_cast %broadcast_in_dim3A_43 : vector<16xf32> to vector<16xf32>
      tpu.vector_store %arg4[%swap3A_44], %swap3A_47 {strides = array<i32>} : memref<128xf32, #tpu.memory_space<vmem>>, vector<16xf32>,
      %mul3A = arith.constant 80 : i32
      %mul3A_48 = arith.muli %arg1, %mul3A : i32
      "tpu.region"() ({
        %run_scoped3A = tpu.sem_alloc : memref<!tpu.dma_semaphore, #tpu.memory_space<semaphore_mem>>
        %dma_start3A = arith.constant 0 : i32
        %dma_start3A_66 = tpu.memref_slice %arg2[%mul3A_48, %dma_start3A] : memref<1280x128xi32, #tpu.memory_space<hbm>> -> memref<80x128xi32, #tpu.memory_space<hbm>>
        %dma_start3A_67 = arith.constant 0 : i32
        %dma_start3A_68 = tpu.memref_slice %arg2[%mul3A_48, %dma_start3A_67] : memref<1280x128xi32, #tpu.memory_space<hbm>> -> memref<80x128xi32, #tpu.memory_space<hbm>>
        tpu.enqueue_dma source(%dma_start3A_68 : memref<80x128xi32, #tpu.memory_space<hbm>>) target(%arg5 : memref<80x128xi32, #tpu.memory_space<vmem>>) target_semaphore(%run_scoped3A : memref<!tpu.dma_semaphore, #tpu.memory_space<semaphore_mem>>)
        %dma_wait3A = arith.constant 0 : i32
        %dma_wait3A_69 = tpu.memref_slice %arg2[%mul3A_48, %dma_wait3A] : memref<1280x128xi32, #tpu.memory_space<hbm>> -> memref<80x128xi32, #tpu.memory_space<hbm>>
        %dma_wait3A_70 = arith.constant 0 : i32
        %dma_wait3A_71 = tpu.memref_slice %arg2[%mul3A_48, %dma_wait3A_70] : memref<1280x128xi32, #tpu.memory_space<hbm>> -> memref<80x128xi32, #tpu.memory_space<hbm>>
        tpu.wait_dma2 semaphore(%run_scoped3A : memref<!tpu.dma_semaphore, #tpu.memory_space<semaphore_mem>>) src(%dma_wait3A_71 : memref<80x128xi32, #tpu.memory_space<hbm>>) dst(%arg5 : memref<80x128xi32, #tpu.memory_space<vmem>>)
        tpu.yield
      }) : () -> ()
      %mul3A_49 = arith.constant 640 : i32
      %mul3A_50 = arith.muli %arg1, %mul3A_49 : i32
      %add3A = arith.constant 0 : i32
      %add3A_51 = arith.addi %mul3A_50, %add3A : i32
      "tpu.region"() ({
        %run_scoped3A = tpu.sem_alloc : memref<!tpu.dma_semaphore, #tpu.memory_space<semaphore_mem>>
        %dma_start3A = tpu.memref_slice %arg6[%add3A_51] : memref<10240xf32, #tpu.memory_space<vmem_shared>> -> memref<128xf32, #tpu.memory_space<vmem_shared>>
        %dma_start3A_66 = tpu.memref_slice %arg6[%add3A_51] : memref<10240xf32, #tpu.memory_space<vmem_shared>> -> memref<128xf32, #tpu.memory_space<vmem_shared>>
        tpu.enqueue_dma source(%arg4 : memref<128xf32, #tpu.memory_space<vmem>>) target(%dma_start3A_66 : memref<128xf32, #tpu.memory_space<vmem_shared>>) target_semaphore(%run_scoped3A : memref<!tpu.dma_semaphore, #tpu.memory_space<semaphore_mem>>)
        %dma_wait3A = tpu.memref_slice %arg6[%add3A_51] : memref<10240xf32, #tpu.memory_space<vmem_shared>> -> memref<128xf32, #tpu.memory_space<vmem_shared>>
        %dma_wait3A_67 = tpu.memref_slice %arg6[%add3A_51] : memref<10240xf32, #tpu.memory_space<vmem_shared>> -> memref<128xf32, #tpu.memory_space<vmem_shared>>
        tpu.wait_dma2 semaphore(%run_scoped3A : memref<!tpu.dma_semaphore, #tpu.memory_space<semaphore_mem>>) src(%arg4 : memref<128xf32, #tpu.memory_space<vmem>>) dst(%dma_wait3A_67 : memref<128xf32, #tpu.memory_space<vmem_shared>>)
        tpu.yield
      }) : () -> ()
      %add3A_52 = arith.constant 128 : i32
      %add3A_53 = arith.addi %mul3A_50, %add3A_52 : i32
      "tpu.region"() ({
        %run_scoped3A = tpu.sem_alloc : memref<!tpu.dma_semaphore, #tpu.memory_space<semaphore_mem>>
        %dma_start3A = tpu.memref_slice %arg6[%add3A_53] : memref<10240xf32, #tpu.memory_space<vmem_shared>> -> memref<128xf32, #tpu.memory_space<vmem_shared>>
        %dma_start3A_66 = tpu.memref_slice %arg6[%add3A_53] : memref<10240xf32, #tpu.memory_space<vmem_shared>> -> memref<128xf32, #tpu.memory_space<vmem_shared>>
        tpu.enqueue_dma source(%arg4 : memref<128xf32, #tpu.memory_space<vmem>>) target(%dma_start3A_66 : memref<128xf32, #tpu.memory_space<vmem_shared>>) target_semaphore(%run_scoped3A : memref<!tpu.dma_semaphore, #tpu.memory_space<semaphore_mem>>)
        %dma_wait3A = tpu.memref_slice %arg6[%add3A_53] : memref<10240xf32, #tpu.memory_space<vmem_shared>> -> memref<128xf32, #tpu.memory_space<vmem_shared>>
        %dma_wait3A_67 = tpu.memref_slice %arg6[%add3A_53] : memref<10240xf32, #tpu.memory_space<vmem_shared>> -> memref<128xf32, #tpu.memory_space<vmem_shared>>
        tpu.wait_dma2 semaphore(%run_scoped3A : memref<!tpu.dma_semaphore, #tpu.memory_space<semaphore_mem>>) src(%arg4 : memref<128xf32, #tpu.memory_space<vmem>>) dst(%dma_wait3A_67 : memref<128xf32, #tpu.memory_space<vmem_shared>>)
        tpu.yield
      }) : () -> ()
      %add3A_54 = arith.constant 256 : i32
      %add3A_55 = arith.addi %mul3A_50, %add3A_54 : i32
      "tpu.region"() ({
        %run_scoped3A = tpu.sem_alloc : memref<!tpu.dma_semaphore, #tpu.memory_space<semaphore_mem>>
        %dma_start3A = tpu.memref_slice %arg6[%add3A_55] : memref<10240xf32, #tpu.memory_space<vmem_shared>> -> memref<128xf32, #tpu.memory_space<vmem_shared>>
        %dma_start3A_66 = tpu.memref_slice %arg6[%add3A_55] : memref<10240xf32, #tpu.memory_space<vmem_shared>> -> memref<128xf32, #tpu.memory_space<vmem_shared>>
        tpu.enqueue_dma source(%arg4 : memref<128xf32, #tpu.memory_space<vmem>>) target(%dma_start3A_66 : memref<128xf32, #tpu.memory_space<vmem_shared>>) target_semaphore(%run_scoped3A : memref<!tpu.dma_semaphore, #tpu.memory_space<semaphore_mem>>)
        %dma_wait3A = tpu.memref_slice %arg6[%add3A_55] : memref<10240xf32, #tpu.memory_space<vmem_shared>> -> memref<128xf32, #tpu.memory_space<vmem_shared>>
        %dma_wait3A_67 = tpu.memref_slice %arg6[%add3A_55] : memref<10240xf32, #tpu.memory_space<vmem_shared>> -> memref<128xf32, #tpu.memory_space<vmem_shared>>
        tpu.wait_dma2 semaphore(%run_scoped3A : memref<!tpu.dma_semaphore, #tpu.memory_space<semaphore_mem>>) src(%arg4 : memref<128xf32, #tpu.memory_space<vmem>>) dst(%dma_wait3A_67 : memref<128xf32, #tpu.memory_space<vmem_shared>>)
        tpu.yield
      }) : () -> ()
      %add3A_56 = arith.constant 384 : i32
      %add3A_57 = arith.addi %mul3A_50, %add3A_56 : i32
      "tpu.region"() ({
        %run_scoped3A = tpu.sem_alloc : memref<!tpu.dma_semaphore, #tpu.memory_space<semaphore_mem>>
        %dma_start3A = tpu.memref_slice %arg6[%add3A_57] : memref<10240xf32, #tpu.memory_space<vmem_shared>> -> memref<128xf32, #tpu.memory_space<vmem_shared>>
        %dma_start3A_66 = tpu.memref_slice %arg6[%add3A_57] : memref<10240xf32, #tpu.memory_space<vmem_shared>> -> memref<128xf32, #tpu.memory_space<vmem_shared>>
        tpu.enqueue_dma source(%arg4 : memref<128xf32, #tpu.memory_space<vmem>>) target(%dma_start3A_66 : memref<128xf32, #tpu.memory_space<vmem_shared>>) target_semaphore(%run_scoped3A : memref<!tpu.dma_semaphore, #tpu.memory_space<semaphore_mem>>)
        %dma_wait3A = tpu.memref_slice %arg6[%add3A_57] : memref<10240xf32, #tpu.memory_space<vmem_shared>> -> memref<128xf32, #tpu.memory_space<vmem_shared>>
        %dma_wait3A_67 = tpu.memref_slice %arg6[%add3A_57] : memref<10240xf32, #tpu.memory_space<vmem_shared>> -> memref<128xf32, #tpu.memory_space<vmem_shared>>
        tpu.wait_dma2 semaphore(%run_scoped3A : memref<!tpu.dma_semaphore, #tpu.memory_space<semaphore_mem>>) src(%arg4 : memref<128xf32, #tpu.memory_space<vmem>>) dst(%dma_wait3A_67 : memref<128xf32, #tpu.memory_space<vmem_shared>>)
        tpu.yield
      }) : () -> ()
      %add3A_58 = arith.constant 512 : i32
      %add3A_59 = arith.addi %mul3A_50, %add3A_58 : i32
      "tpu.region"() ({
        %run_scoped3A = tpu.sem_alloc : memref<!tpu.dma_semaphore, #tpu.memory_space<semaphore_mem>>
        %dma_start3A = tpu.memref_slice %arg6[%add3A_59] : memref<10240xf32, #tpu.memory_space<vmem_shared>> -> memref<128xf32, #tpu.memory_space<vmem_shared>>
        %dma_start3A_66 = tpu.memref_slice %arg6[%add3A_59] : memref<10240xf32, #tpu.memory_space<vmem_shared>> -> memref<128xf32, #tpu.memory_space<vmem_shared>>
        tpu.enqueue_dma source(%arg4 : memref<128xf32, #tpu.memory_space<vmem>>) target(%dma_start3A_66 : memref<128xf32, #tpu.memory_space<vmem_shared>>) target_semaphore(%run_scoped3A : memref<!tpu.dma_semaphore, #tpu.memory_space<semaphore_mem>>)
        %dma_wait3A = tpu.memref_slice %arg6[%add3A_59] : memref<10240xf32, #tpu.memory_space<vmem_shared>> -> memref<128xf32, #tpu.memory_space<vmem_shared>>
        %dma_wait3A_67 = tpu.memref_slice %arg6[%add3A_59] : memref<10240xf32, #tpu.memory_space<vmem_shared>> -> memref<128xf32, #tpu.memory_space<vmem_shared>>
        tpu.wait_dma2 semaphore(%run_scoped3A : memref<!tpu.dma_semaphore, #tpu.memory_space<semaphore_mem>>) src(%arg4 : memref<128xf32, #tpu.memory_space<vmem>>) dst(%dma_wait3A_67 : memref<128xf32, #tpu.memory_space<vmem_shared>>)
        tpu.yield
      }) : () -> ()
      %barrier3A = arith.constant 0 : index
      tpu.barrier barrier_id(%barrier3A)
      %scan3A = arith.constant 0 : i32
      %scan3A_60 = arith.constant 0 : i32
      %scan3A_61 = arith.constant 10 : i32
      %scan3A_62 = arith.addi %scan3A_60, %scan3A_61 : i32
      %scan3A_63 = arith.constant 1 : i32
      scf.for %scan3A_66 = %scan3A_60 to %scan3A_62 step %scan3A_63  : i32 {
        %mul3A_67 = arith.constant 8 : i32
        %mul3A_68 = arith.muli %scan3A_66, %mul3A_67 : i32
        %add3A_69 = arith.constant 0 : i32
        %add3A_70 = arith.addi %mul3A_68, %add3A_69 : i32
        %dma_start3A = arith.constant 0 : i32
        %dma_start3A_71 = tpu.memref_slice %arg4[%dma_start3A] : memref<128xf32, #tpu.memory_space<vmem>> -> memref<128xf32, #tpu.memory_space<vmem>>
        %dma_start3A_72 = arith.constant 0 : i32
        %dma_start3A_73 = tpu.memref_slice %arg5[%add3A_70, %dma_start3A_72] : memref<80x128xi32, #tpu.memory_space<vmem>> -> memref<1x128xi32, #tpu.memory_space<vmem>>
        %dma_start3A_74 = tpu.memref_squeeze %dma_start3A_73 : memref<1x128xi32, #tpu.memory_space<vmem>> -> memref<128xi32, #tpu.memory_space<vmem>>
        %dma_start3A_75 = arith.constant 0 : i32
        %dma_start3A_76 = tpu.memref_slice %arg6[%dma_start3A_75] : memref<10240xf32, #tpu.memory_space<vmem_shared>> -> memref<10240xf32, #tpu.memory_space<vmem_shared>>
        tpu.enqueue_indirect_dma source(%dma_start3A_71 : memref<128xf32, #tpu.memory_space<vmem>>) target(%dma_start3A_76 : memref<10240xf32, #tpu.memory_space<vmem_shared>>) offsets(%dma_start3A_74 : memref<128xi32, #tpu.memory_space<vmem>>) semaphore(%arg7 : memref<!tpu.dma_semaphore, #tpu.memory_space<semaphore_mem>>) {add = true}
        %mul3A_77 = arith.constant 8 : i32
        %mul3A_78 = arith.muli %scan3A_66, %mul3A_77 : i32
        %add3A_79 = arith.constant 1 : i32
        %add3A_80 = arith.addi %mul3A_78, %add3A_79 : i32
        %dma_start3A_81 = arith.constant 0 : i32
        %dma_start3A_82 = tpu.memref_slice %arg4[%dma_start3A_81] : memref<128xf32, #tpu.memory_space<vmem>> -> memref<128xf32, #tpu.memory_space<vmem>>
        %dma_start3A_83 = arith.constant 0 : i32
        %dma_start3A_84 = tpu.memref_slice %arg5[%add3A_80, %dma_start3A_83] : memref<80x128xi32, #tpu.memory_space<vmem>> -> memref<1x128xi32, #tpu.memory_space<vmem>>
        %dma_start3A_85 = tpu.memref_squeeze %dma_start3A_84 : memref<1x128xi32, #tpu.memory_space<vmem>> -> memref<128xi32, #tpu.memory_space<vmem>>
        %dma_start3A_86 = arith.constant 0 : i32
        %dma_start3A_87 = tpu.memref_slice %arg6[%dma_start3A_86] : memref<10240xf32, #tpu.memory_space<vmem_shared>> -> memref<10240xf32, #tpu.memory_space<vmem_shared>>
        tpu.enqueue_indirect_dma source(%dma_start3A_82 : memref<128xf32, #tpu.memory_space<vmem>>) target(%dma_start3A_87 : memref<10240xf32, #tpu.memory_space<vmem_shared>>) offsets(%dma_start3A_85 : memref<128xi32, #tpu.memory_space<vmem>>) semaphore(%arg7 : memref<!tpu.dma_semaphore, #tpu.memory_space<semaphore_mem>>) {add = true}
        %mul3A_88 = arith.constant 8 : i32
        %mul3A_89 = arith.muli %scan3A_66, %mul3A_88 : i32
        %add3A_90 = arith.constant 2 : i32
        %add3A_91 = arith.addi %mul3A_89, %add3A_90 : i32
        %dma_start3A_92 = arith.constant 0 : i32
        %dma_start3A_93 = tpu.memref_slice %arg4[%dma_start3A_92] : memref<128xf32, #tpu.memory_space<vmem>> -> memref<128xf32, #tpu.memory_space<vmem>>
        %dma_start3A_94 = arith.constant 0 : i32
        %dma_start3A_95 = tpu.memref_slice %arg5[%add3A_91, %dma_start3A_94] : memref<80x128xi32, #tpu.memory_space<vmem>> -> memref<1x128xi32, #tpu.memory_space<vmem>>
        %dma_start3A_96 = tpu.memref_squeeze %dma_start3A_95 : memref<1x128xi32, #tpu.memory_space<vmem>> -> memref<128xi32, #tpu.memory_space<vmem>>
        %dma_start3A_97 = arith.constant 0 : i32
        %dma_start3A_98 = tpu.memref_slice %arg6[%dma_start3A_97] : memref<10240xf32, #tpu.memory_space<vmem_shared>> -> memref<10240xf32, #tpu.memory_space<vmem_shared>>
        tpu.enqueue_indirect_dma source(%dma_start3A_93 : memref<128xf32, #tpu.memory_space<vmem>>) target(%dma_start3A_98 : memref<10240xf32, #tpu.memory_space<vmem_shared>>) offsets(%dma_start3A_96 : memref<128xi32, #tpu.memory_space<vmem>>) semaphore(%arg7 : memref<!tpu.dma_semaphore, #tpu.memory_space<semaphore_mem>>) {add = true}
        %mul3A_99 = arith.constant 8 : i32
        %mul3A_100 = arith.muli %scan3A_66, %mul3A_99 : i32
        %add3A_101 = arith.constant 3 : i32
        %add3A_102 = arith.addi %mul3A_100, %add3A_101 : i32
        %dma_start3A_103 = arith.constant 0 : i32
        %dma_start3A_104 = tpu.memref_slice %arg4[%dma_start3A_103] : memref<128xf32, #tpu.memory_space<vmem>> -> memref<128xf32, #tpu.memory_space<vmem>>
        %dma_start3A_105 = arith.constant 0 : i32
        %dma_start3A_106 = tpu.memref_slice %arg5[%add3A_102, %dma_start3A_105] : memref<80x128xi32, #tpu.memory_space<vmem>> -> memref<1x128xi32, #tpu.memory_space<vmem>>
        %dma_start3A_107 = tpu.memref_squeeze %dma_start3A_106 : memref<1x128xi32, #tpu.memory_space<vmem>> -> memref<128xi32, #tpu.memory_space<vmem>>
        %dma_start3A_108 = arith.constant 0 : i32
        %dma_start3A_109 = tpu.memref_slice %arg6[%dma_start3A_108] : memref<10240xf32, #tpu.memory_space<vmem_shared>> -> memref<10240xf32, #tpu.memory_space<vmem_shared>>
        tpu.enqueue_indirect_dma source(%dma_start3A_104 : memref<128xf32, #tpu.memory_space<vmem>>) target(%dma_start3A_109 : memref<10240xf32, #tpu.memory_space<vmem_shared>>) offsets(%dma_start3A_107 : memref<128xi32, #tpu.memory_space<vmem>>) semaphore(%arg7 : memref<!tpu.dma_semaphore, #tpu.memory_space<semaphore_mem>>) {add = true}
        %mul3A_110 = arith.constant 8 : i32
        %mul3A_111 = arith.muli %scan3A_66, %mul3A_110 : i32
        %add3A_112 = arith.constant 4 : i32
        %add3A_113 = arith.addi %mul3A_111, %add3A_112 : i32
        %dma_start3A_114 = arith.constant 0 : i32
        %dma_start3A_115 = tpu.memref_slice %arg4[%dma_start3A_114] : memref<128xf32, #tpu.memory_space<vmem>> -> memref<128xf32, #tpu.memory_space<vmem>>
        %dma_start3A_116 = arith.constant 0 : i32
        %dma_start3A_117 = tpu.memref_slice %arg5[%add3A_113, %dma_start3A_116] : memref<80x128xi32, #tpu.memory_space<vmem>> -> memref<1x128xi32, #tpu.memory_space<vmem>>
        %dma_start3A_118 = tpu.memref_squeeze %dma_start3A_117 : memref<1x128xi32, #tpu.memory_space<vmem>> -> memref<128xi32, #tpu.memory_space<vmem>>
        %dma_start3A_119 = arith.constant 0 : i32
        %dma_start3A_120 = tpu.memref_slice %arg6[%dma_start3A_119] : memref<10240xf32, #tpu.memory_space<vmem_shared>> -> memref<10240xf32, #tpu.memory_space<vmem_shared>>
        tpu.enqueue_indirect_dma source(%dma_start3A_115 : memref<128xf32, #tpu.memory_space<vmem>>) target(%dma_start3A_120 : memref<10240xf32, #tpu.memory_space<vmem_shared>>) offsets(%dma_start3A_118 : memref<128xi32, #tpu.memory_space<vmem>>) semaphore(%arg7 : memref<!tpu.dma_semaphore, #tpu.memory_space<semaphore_mem>>) {add = true}
        %mul3A_121 = arith.constant 8 : i32
        %mul3A_122 = arith.muli %scan3A_66, %mul3A_121 : i32
        %add3A_123 = arith.constant 5 : i32
        %add3A_124 = arith.addi %mul3A_122, %add3A_123 : i32
        %dma_start3A_125 = arith.constant 0 : i32
        %dma_start3A_126 = tpu.memref_slice %arg4[%dma_start3A_125] : memref<128xf32, #tpu.memory_space<vmem>> -> memref<128xf32, #tpu.memory_space<vmem>>
        %dma_start3A_127 = arith.constant 0 : i32
        %dma_start3A_128 = tpu.memref_slice %arg5[%add3A_124, %dma_start3A_127] : memref<80x128xi32, #tpu.memory_space<vmem>> -> memref<1x128xi32, #tpu.memory_space<vmem>>
        %dma_start3A_129 = tpu.memref_squeeze %dma_start3A_128 : memref<1x128xi32, #tpu.memory_space<vmem>> -> memref<128xi32, #tpu.memory_space<vmem>>
        %dma_start3A_130 = arith.constant 0 : i32
        %dma_start3A_131 = tpu.memref_slice %arg6[%dma_start3A_130] : memref<10240xf32, #tpu.memory_space<vmem_shared>> -> memref<10240xf32, #tpu.memory_space<vmem_shared>>
        tpu.enqueue_indirect_dma source(%dma_start3A_126 : memref<128xf32, #tpu.memory_space<vmem>>) target(%dma_start3A_131 : memref<10240xf32, #tpu.memory_space<vmem_shared>>) offsets(%dma_start3A_129 : memref<128xi32, #tpu.memory_space<vmem>>) semaphore(%arg7 : memref<!tpu.dma_semaphore, #tpu.memory_space<semaphore_mem>>) {add = true}
        %mul3A_132 = arith.constant 8 : i32
        %mul3A_133 = arith.muli %scan3A_66, %mul3A_132 : i32
        %add3A_134 = arith.constant 6 : i32
        %add3A_135 = arith.addi %mul3A_133, %add3A_134 : i32
        %dma_start3A_136 = arith.constant 0 : i32
        %dma_start3A_137 = tpu.memref_slice %arg4[%dma_start3A_136] : memref<128xf32, #tpu.memory_space<vmem>> -> memref<128xf32, #tpu.memory_space<vmem>>
        %dma_start3A_138 = arith.constant 0 : i32
        %dma_start3A_139 = tpu.memref_slice %arg5[%add3A_135, %dma_start3A_138] : memref<80x128xi32, #tpu.memory_space<vmem>> -> memref<1x128xi32, #tpu.memory_space<vmem>>
        %dma_start3A_140 = tpu.memref_squeeze %dma_start3A_139 : memref<1x128xi32, #tpu.memory_space<vmem>> -> memref<128xi32, #tpu.memory_space<vmem>>
        %dma_start3A_141 = arith.constant 0 : i32
        %dma_start3A_142 = tpu.memref_slice %arg6[%dma_start3A_141] : memref<10240xf32, #tpu.memory_space<vmem_shared>> -> memref<10240xf32, #tpu.memory_space<vmem_shared>>
        tpu.enqueue_indirect_dma source(%dma_start3A_137 : memref<128xf32, #tpu.memory_space<vmem>>) target(%dma_start3A_142 : memref<10240xf32, #tpu.memory_space<vmem_shared>>) offsets(%dma_start3A_140 : memref<128xi32, #tpu.memory_space<vmem>>) semaphore(%arg7 : memref<!tpu.dma_semaphore, #tpu.memory_space<semaphore_mem>>) {add = true}
        %mul3A_143 = arith.constant 8 : i32
        %mul3A_144 = arith.muli %scan3A_66, %mul3A_143 : i32
        %add3A_145 = arith.constant 7 : i32
        %add3A_146 = arith.addi %mul3A_144, %add3A_145 : i32
        %dma_start3A_147 = arith.constant 0 : i32
        %dma_start3A_148 = tpu.memref_slice %arg4[%dma_start3A_147] : memref<128xf32, #tpu.memory_space<vmem>> -> memref<128xf32, #tpu.memory_space<vmem>>
        %dma_start3A_149 = arith.constant 0 : i32
        %dma_start3A_150 = tpu.memref_slice %arg5[%add3A_146, %dma_start3A_149] : memref<80x128xi32, #tpu.memory_space<vmem>> -> memref<1x128xi32, #tpu.memory_space<vmem>>
        %dma_start3A_151 = tpu.memref_squeeze %dma_start3A_150 : memref<1x128xi32, #tpu.memory_space<vmem>> -> memref<128xi32, #tpu.memory_space<vmem>>
        %dma_start3A_152 = arith.constant 0 : i32
        %dma_start3A_153 = tpu.memref_slice %arg6[%dma_start3A_152] : memref<10240xf32, #tpu.memory_space<vmem_shared>> -> memref<10240xf32, #tpu.memory_space<vmem_shared>>
        tpu.enqueue_indirect_dma source(%dma_start3A_148 : memref<128xf32, #tpu.memory_space<vmem>>) target(%dma_start3A_153 : memref<10240xf32, #tpu.memory_space<vmem_shared>>) offsets(%dma_start3A_151 : memref<128xi32, #tpu.memory_space<vmem>>) semaphore(%arg7 : memref<!tpu.dma_semaphore, #tpu.memory_space<semaphore_mem>>) {add = true}
        %mul3A_154 = arith.constant 8 : i32
        %mul3A_155 = arith.muli %scan3A_66, %mul3A_154 : i32
        %add3A_156 = arith.constant 0 : i32
        %add3A_157 = arith.addi %mul3A_155, %add3A_156 : i32
        %dma_wait3A = arith.constant 0 : i32
        %dma_wait3A_158 = tpu.memref_slice %arg4[%dma_wait3A] : memref<128xf32, #tpu.memory_space<vmem>> -> memref<128xf32, #tpu.memory_space<vmem>>
        %dma_wait3A_159 = arith.constant 0 : i32
        %dma_wait3A_160 = tpu.memref_slice %arg5[%add3A_157, %dma_wait3A_159] : memref<80x128xi32, #tpu.memory_space<vmem>> -> memref<1x128xi32, #tpu.memory_space<vmem>>
        %dma_wait3A_161 = tpu.memref_squeeze %dma_wait3A_160 : memref<1x128xi32, #tpu.memory_space<vmem>> -> memref<128xi32, #tpu.memory_space<vmem>>
        %dma_wait3A_162 = arith.constant 0 : i32
        %dma_wait3A_163 = tpu.memref_slice %arg6[%dma_wait3A_162] : memref<10240xf32, #tpu.memory_space<vmem_shared>> -> memref<10240xf32, #tpu.memory_space<vmem_shared>>
        tpu.wait_indirect_dma semaphore(%arg7 : memref<!tpu.dma_semaphore, #tpu.memory_space<semaphore_mem>>) src(%dma_wait3A_158 : memref<128xf32, #tpu.memory_space<vmem>>) dst(%dma_wait3A_163 : memref<10240xf32, #tpu.memory_space<vmem_shared>>)
        %mul3A_164 = arith.constant 8 : i32
        %mul3A_165 = arith.muli %scan3A_66, %mul3A_164 : i32
        %add3A_166 = arith.constant 1 : i32
        %add3A_167 = arith.addi %mul3A_165, %add3A_166 : i32
        %dma_wait3A_168 = arith.constant 0 : i32
        %dma_wait3A_169 = tpu.memref_slice %arg4[%dma_wait3A_168] : memref<128xf32, #tpu.memory_space<vmem>> -> memref<128xf32, #tpu.memory_space<vmem>>
        %dma_wait3A_170 = arith.constant 0 : i32
        %dma_wait3A_171 = tpu.memref_slice %arg5[%add3A_167, %dma_wait3A_170] : memref<80x128xi32, #tpu.memory_space<vmem>> -> memref<1x128xi32, #tpu.memory_space<vmem>>
        %dma_wait3A_172 = tpu.memref_squeeze %dma_wait3A_171 : memref<1x128xi32, #tpu.memory_space<vmem>> -> memref<128xi32, #tpu.memory_space<vmem>>
        %dma_wait3A_173 = arith.constant 0 : i32
        %dma_wait3A_174 = tpu.memref_slice %arg6[%dma_wait3A_173] : memref<10240xf32, #tpu.memory_space<vmem_shared>> -> memref<10240xf32, #tpu.memory_space<vmem_shared>>
        tpu.wait_indirect_dma semaphore(%arg7 : memref<!tpu.dma_semaphore, #tpu.memory_space<semaphore_mem>>) src(%dma_wait3A_169 : memref<128xf32, #tpu.memory_space<vmem>>) dst(%dma_wait3A_174 : memref<10240xf32, #tpu.memory_space<vmem_shared>>)
        %mul3A_175 = arith.constant 8 : i32
        %mul3A_176 = arith.muli %scan3A_66, %mul3A_175 : i32
        %add3A_177 = arith.constant 2 : i32
        %add3A_178 = arith.addi %mul3A_176, %add3A_177 : i32
        %dma_wait3A_179 = arith.constant 0 : i32
        %dma_wait3A_180 = tpu.memref_slice %arg4[%dma_wait3A_179] : memref<128xf32, #tpu.memory_space<vmem>> -> memref<128xf32, #tpu.memory_space<vmem>>
        %dma_wait3A_181 = arith.constant 0 : i32
        %dma_wait3A_182 = tpu.memref_slice %arg5[%add3A_178, %dma_wait3A_181] : memref<80x128xi32, #tpu.memory_space<vmem>> -> memref<1x128xi32, #tpu.memory_space<vmem>>
        %dma_wait3A_183 = tpu.memref_squeeze %dma_wait3A_182 : memref<1x128xi32, #tpu.memory_space<vmem>> -> memref<128xi32, #tpu.memory_space<vmem>>
        %dma_wait3A_184 = arith.constant 0 : i32
        %dma_wait3A_185 = tpu.memref_slice %arg6[%dma_wait3A_184] : memref<10240xf32, #tpu.memory_space<vmem_shared>> -> memref<10240xf32, #tpu.memory_space<vmem_shared>>
        tpu.wait_indirect_dma semaphore(%arg7 : memref<!tpu.dma_semaphore, #tpu.memory_space<semaphore_mem>>) src(%dma_wait3A_180 : memref<128xf32, #tpu.memory_space<vmem>>) dst(%dma_wait3A_185 : memref<10240xf32, #tpu.memory_space<vmem_shared>>)
        %mul3A_186 = arith.constant 8 : i32
        %mul3A_187 = arith.muli %scan3A_66, %mul3A_186 : i32
        %add3A_188 = arith.constant 3 : i32
        %add3A_189 = arith.addi %mul3A_187, %add3A_188 : i32
        %dma_wait3A_190 = arith.constant 0 : i32
        %dma_wait3A_191 = tpu.memref_slice %arg4[%dma_wait3A_190] : memref<128xf32, #tpu.memory_space<vmem>> -> memref<128xf32, #tpu.memory_space<vmem>>
        %dma_wait3A_192 = arith.constant 0 : i32
        %dma_wait3A_193 = tpu.memref_slice %arg5[%add3A_189, %dma_wait3A_192] : memref<80x128xi32, #tpu.memory_space<vmem>> -> memref<1x128xi32, #tpu.memory_space<vmem>>
        %dma_wait3A_194 = tpu.memref_squeeze %dma_wait3A_193 : memref<1x128xi32, #tpu.memory_space<vmem>> -> memref<128xi32, #tpu.memory_space<vmem>>
        %dma_wait3A_195 = arith.constant 0 : i32
        %dma_wait3A_196 = tpu.memref_slice %arg6[%dma_wait3A_195] : memref<10240xf32, #tpu.memory_space<vmem_shared>> -> memref<10240xf32, #tpu.memory_space<vmem_shared>>
        tpu.wait_indirect_dma semaphore(%arg7 : memref<!tpu.dma_semaphore, #tpu.memory_space<semaphore_mem>>) src(%dma_wait3A_191 : memref<128xf32, #tpu.memory_space<vmem>>) dst(%dma_wait3A_196 : memref<10240xf32, #tpu.memory_space<vmem_shared>>)
        %mul3A_197 = arith.constant 8 : i32
        %mul3A_198 = arith.muli %scan3A_66, %mul3A_197 : i32
        %add3A_199 = arith.constant 4 : i32
        %add3A_200 = arith.addi %mul3A_198, %add3A_199 : i32
        %dma_wait3A_201 = arith.constant 0 : i32
        %dma_wait3A_202 = tpu.memref_slice %arg4[%dma_wait3A_201] : memref<128xf32, #tpu.memory_space<vmem>> -> memref<128xf32, #tpu.memory_space<vmem>>
        %dma_wait3A_203 = arith.constant 0 : i32
        %dma_wait3A_204 = tpu.memref_slice %arg5[%add3A_200, %dma_wait3A_203] : memref<80x128xi32, #tpu.memory_space<vmem>> -> memref<1x128xi32, #tpu.memory_space<vmem>>
        %dma_wait3A_205 = tpu.memref_squeeze %dma_wait3A_204 : memref<1x128xi32, #tpu.memory_space<vmem>> -> memref<128xi32, #tpu.memory_space<vmem>>
        %dma_wait3A_206 = arith.constant 0 : i32
        %dma_wait3A_207 = tpu.memref_slice %arg6[%dma_wait3A_206] : memref<10240xf32, #tpu.memory_space<vmem_shared>> -> memref<10240xf32, #tpu.memory_space<vmem_shared>>
        tpu.wait_indirect_dma semaphore(%arg7 : memref<!tpu.dma_semaphore, #tpu.memory_space<semaphore_mem>>) src(%dma_wait3A_202 : memref<128xf32, #tpu.memory_space<vmem>>) dst(%dma_wait3A_207 : memref<10240xf32, #tpu.memory_space<vmem_shared>>)
        %mul3A_208 = arith.constant 8 : i32
        %mul3A_209 = arith.muli %scan3A_66, %mul3A_208 : i32
        %add3A_210 = arith.constant 5 : i32
        %add3A_211 = arith.addi %mul3A_209, %add3A_210 : i32
        %dma_wait3A_212 = arith.constant 0 : i32
        %dma_wait3A_213 = tpu.memref_slice %arg4[%dma_wait3A_212] : memref<128xf32, #tpu.memory_space<vmem>> -> memref<128xf32, #tpu.memory_space<vmem>>
        %dma_wait3A_214 = arith.constant 0 : i32
        %dma_wait3A_215 = tpu.memref_slice %arg5[%add3A_211, %dma_wait3A_214] : memref<80x128xi32, #tpu.memory_space<vmem>> -> memref<1x128xi32, #tpu.memory_space<vmem>>
        %dma_wait3A_216 = tpu.memref_squeeze %dma_wait3A_215 : memref<1x128xi32, #tpu.memory_space<vmem>> -> memref<128xi32, #tpu.memory_space<vmem>>
        %dma_wait3A_217 = arith.constant 0 : i32
        %dma_wait3A_218 = tpu.memref_slice %arg6[%dma_wait3A_217] : memref<10240xf32, #tpu.memory_space<vmem_shared>> -> memref<10240xf32, #tpu.memory_space<vmem_shared>>
        tpu.wait_indirect_dma semaphore(%arg7 : memref<!tpu.dma_semaphore, #tpu.memory_space<semaphore_mem>>) src(%dma_wait3A_213 : memref<128xf32, #tpu.memory_space<vmem>>) dst(%dma_wait3A_218 : memref<10240xf32, #tpu.memory_space<vmem_shared>>)
        %mul3A_219 = arith.constant 8 : i32
        %mul3A_220 = arith.muli %scan3A_66, %mul3A_219 : i32
        %add3A_221 = arith.constant 6 : i32
        %add3A_222 = arith.addi %mul3A_220, %add3A_221 : i32
        %dma_wait3A_223 = arith.constant 0 : i32
        %dma_wait3A_224 = tpu.memref_slice %arg4[%dma_wait3A_223] : memref<128xf32, #tpu.memory_space<vmem>> -> memref<128xf32, #tpu.memory_space<vmem>>
        %dma_wait3A_225 = arith.constant 0 : i32
        %dma_wait3A_226 = tpu.memref_slice %arg5[%add3A_222, %dma_wait3A_225] : memref<80x128xi32, #tpu.memory_space<vmem>> -> memref<1x128xi32, #tpu.memory_space<vmem>>
        %dma_wait3A_227 = tpu.memref_squeeze %dma_wait3A_226 : memref<1x128xi32, #tpu.memory_space<vmem>> -> memref<128xi32, #tpu.memory_space<vmem>>
        %dma_wait3A_228 = arith.constant 0 : i32
        %dma_wait3A_229 = tpu.memref_slice %arg6[%dma_wait3A_228] : memref<10240xf32, #tpu.memory_space<vmem_shared>> -> memref<10240xf32, #tpu.memory_space<vmem_shared>>
        tpu.wait_indirect_dma semaphore(%arg7 : memref<!tpu.dma_semaphore, #tpu.memory_space<semaphore_mem>>) src(%dma_wait3A_224 : memref<128xf32, #tpu.memory_space<vmem>>) dst(%dma_wait3A_229 : memref<10240xf32, #tpu.memory_space<vmem_shared>>)
        %mul3A_230 = arith.constant 8 : i32
        %mul3A_231 = arith.muli %scan3A_66, %mul3A_230 : i32
        %add3A_232 = arith.constant 7 : i32
        %add3A_233 = arith.addi %mul3A_231, %add3A_232 : i32
        %dma_wait3A_234 = arith.constant 0 : i32
        %dma_wait3A_235 = tpu.memref_slice %arg4[%dma_wait3A_234] : memref<128xf32, #tpu.memory_space<vmem>> -> memref<128xf32, #tpu.memory_space<vmem>>
        %dma_wait3A_236 = arith.constant 0 : i32
        %dma_wait3A_237 = tpu.memref_slice %arg5[%add3A_233, %dma_wait3A_236] : memref<80x128xi32, #tpu.memory_space<vmem>> -> memref<1x128xi32, #tpu.memory_space<vmem>>
        %dma_wait3A_238 = tpu.memref_squeeze %dma_wait3A_237 : memref<1x128xi32, #tpu.memory_space<vmem>> -> memref<128xi32, #tpu.memory_space<vmem>>
        %dma_wait3A_239 = arith.constant 0 : i32
        %dma_wait3A_240 = tpu.memref_slice %arg6[%dma_wait3A_239] : memref<10240xf32, #tpu.memory_space<vmem_shared>> -> memref<10240xf32, #tpu.memory_space<vmem_shared>>
        tpu.wait_indirect_dma semaphore(%arg7 : memref<!tpu.dma_semaphore, #tpu.memory_space<semaphore_mem>>) src(%dma_wait3A_235 : memref<128xf32, #tpu.memory_space<vmem>>) dst(%dma_wait3A_240 : memref<10240xf32, #tpu.memory_space<vmem_shared>>)
      }
      %scan3A_64 = arith.constant 10 : i32
      %barrier3A_65 = arith.constant 0 : index
      tpu.barrier barrier_id(%barrier3A_65)
      "tpu.region"() ({
        %run_scoped3A = tpu.sem_alloc : memref<!tpu.dma_semaphore, #tpu.memory_space<semaphore_mem>>
        %dma_start3A = tpu.memref_slice %arg3[%mul3A_50] : memref<10240xf32, #tpu.memory_space<hbm>> -> memref<640xf32, #tpu.memory_space<hbm>>
        %dma_start3A_66 = tpu.memref_slice %arg6[%mul3A_50] : memref<10240xf32, #tpu.memory_space<vmem_shared>> -> memref<640xf32, #tpu.memory_space<vmem_shared>>
        tpu.enqueue_dma source(%dma_start3A_66 : memref<640xf32, #tpu.memory_space<vmem_shared>>) target(%dma_start3A : memref<640xf32, #tpu.memory_space<hbm>>) target_semaphore(%run_scoped3A : memref<!tpu.dma_semaphore, #tpu.memory_space<semaphore_mem>>)
        %dma_wait3A = tpu.memref_slice %arg3[%mul3A_50] : memref<10240xf32, #tpu.memory_space<hbm>> -> memref<640xf32, #tpu.memory_space<hbm>>
        %dma_wait3A_67 = tpu.memref_slice %arg6[%mul3A_50] : memref<10240xf32, #tpu.memory_space<vmem_shared>> -> memref<640xf32, #tpu.memory_space<vmem_shared>>
        tpu.wait_dma2 semaphore(%run_scoped3A : memref<!tpu.dma_semaphore, #tpu.memory_space<semaphore_mem>>) src(%dma_wait3A_67 : memref<640xf32, #tpu.memory_space<vmem_shared>>) dst(%dma_wait3A : memref<640xf32, #tpu.memory_space<hbm>>)
        tpu.yield
      }) : () -> ()
    } else {
    }
    return
  }
}

#map = affine_map<(d0, d1) -> (0, 0, 0)>
#map1 = affine_map<(d0, d1) -> (0, 0)>
module attributes {stable_mosaic.version = 14 : i64} {
  func.func @_spmm_body(%arg0: i32, %arg1: i32, %arg2: memref<1280x2x128xi32, #tpu.memory_space<hbm>>, %arg3: memref<10240x128xf32, #tpu.memory_space<hbm>>, %arg4: memref<10240x128xf32, #tpu.memory_space<hbm>>, %arg5: memref<10240x128xf32, #tpu.memory_space<hbm>>, %arg6: memref<10240x128xf32, #tpu.memory_space<hbm>>, %arg7: memref<2x2x128xi32, #tpu.memory_space<vmem>>, %arg8: memref<2x128x128xf32, #tpu.memory_space<vmem>>, %arg9: memref<10240x128xf32, #tpu.memory_space<vmem_shared>>, %arg10: memref<2x!tpu.dma_semaphore, #tpu.memory_space<semaphore_mem>>, %arg11: memref<2x!tpu.dma_semaphore, #tpu.memory_space<semaphore_mem>>, %arg12: memref<2x!tpu.dma_semaphore, #tpu.memory_space<semaphore_mem>>) attributes {dimension_semantics = [#tpu.dimension_semantics<core_parallel>, #tpu.dimension_semantics<subcore_parallel>], iteration_bounds = array<i64: 2, 16>, scalar_prefetch = 0 : i64, scratch_operands = 6 : i64, tpu.core_type = #tpu.core_type<sc_vector_subcore>, window_params = [{transform_indices = #map}, {transform_indices = #map1}, {transform_indices = #map1}, {transform_indices = #map1}, {transform_indices = #map1}]} {
    %mul3A = arith.constant 640 : i32
    %mul3A_0 = arith.muli %arg1, %mul3A : i32
    %eq3A = arith.constant 0 : i32
    %eq3A_1 = arith.cmpi eq, %arg0, %eq3A : i32
    %convert_element_type3A = arith.extui %eq3A_1 : i1 to i32
    %cond3A = arith.constant 0 : i32
    %cond3A_2 = arith.cmpi ne, %convert_element_type3A, %cond3A : i32
    scf.if %cond3A_2 {
      %add3A = arith.constant 0 : i32
      %add3A_8 = arith.addi %add3A, %arg1 : i32
      %dma_start3A = arith.constant 0 : i32
      %dma_start3A_9 = arith.constant 0 : i32
      %dma_start3A_10 = arith.constant 0 : i32
      %dma_start3A_11 = arith.constant 0 : i32
      %dma_start3A_12 = tpu.memref_slice %arg7[%dma_start3A_9, %dma_start3A_10, %dma_start3A_11] : memref<2x2x128xi32, #tpu.memory_space<vmem>> -> memref<1x2x128xi32, #tpu.memory_space<vmem>>
      %dma_start3A_13 = arith.constant 0 : i32
      %dma_start3A_14 = arith.constant 0 : i32
      %dma_start3A_15 = tpu.memref_slice %arg2[%add3A_8, %dma_start3A_13, %dma_start3A_14] : memref<1280x2x128xi32, #tpu.memory_space<hbm>> -> memref<1x2x128xi32, #tpu.memory_space<hbm>>
      %dma_start3A_16 = tpu.memref_slice %arg10[%dma_start3A] : memref<2x!tpu.dma_semaphore, #tpu.memory_space<semaphore_mem>> -> memref<1x!tpu.dma_semaphore, #tpu.memory_space<semaphore_mem>>
      %dma_start3A_17 = tpu.memref_squeeze %dma_start3A_16 : memref<1x!tpu.dma_semaphore, #tpu.memory_space<semaphore_mem>> -> memref<!tpu.dma_semaphore, #tpu.memory_space<semaphore_mem>>
      %dma_start3A_18 = arith.constant 0 : i32
      %dma_start3A_19 = arith.constant 0 : i32
      %dma_start3A_20 = arith.constant 0 : i32
      %dma_start3A_21 = tpu.memref_slice %arg7[%dma_start3A_18, %dma_start3A_19, %dma_start3A_20] : memref<2x2x128xi32, #tpu.memory_space<vmem>> -> memref<1x2x128xi32, #tpu.memory_space<vmem>>
      %dma_start3A_22 = arith.constant 0 : i32
      %dma_start3A_23 = arith.constant 0 : i32
      %dma_start3A_24 = tpu.memref_slice %arg2[%add3A_8, %dma_start3A_22, %dma_start3A_23] : memref<1280x2x128xi32, #tpu.memory_space<hbm>> -> memref<1x2x128xi32, #tpu.memory_space<hbm>>
      tpu.enqueue_dma source(%dma_start3A_24 : memref<1x2x128xi32, #tpu.memory_space<hbm>>) target(%dma_start3A_21 : memref<1x2x128xi32, #tpu.memory_space<vmem>>) target_semaphore(%dma_start3A_17 : memref<!tpu.dma_semaphore, #tpu.memory_space<semaphore_mem>>)
      "tpu.region"() ({
        %run_scoped3A = tpu.sem_alloc : memref<!tpu.dma_semaphore, #tpu.memory_space<semaphore_mem>>
        %dma_start3A_46 = arith.constant 0 : i32
        %dma_start3A_47 = tpu.memref_slice %arg9[%mul3A_0, %dma_start3A_46] : memref<10240x128xf32, #tpu.memory_space<vmem_shared>> -> memref<640x128xf32, #tpu.memory_space<vmem_shared>>
        %dma_start3A_48 = arith.constant 0 : i32
        %dma_start3A_49 = tpu.memref_slice %arg3[%mul3A_0, %dma_start3A_48] : memref<10240x128xf32, #tpu.memory_space<hbm>> -> memref<640x128xf32, #tpu.memory_space<hbm>>
        tpu.enqueue_dma source(%dma_start3A_49 : memref<640x128xf32, #tpu.memory_space<hbm>>) target(%dma_start3A_47 : memref<640x128xf32, #tpu.memory_space<vmem_shared>>) target_semaphore(%run_scoped3A : memref<!tpu.dma_semaphore, #tpu.memory_space<semaphore_mem>>)
        %dma_wait3A_50 = arith.constant 0 : i32
        %dma_wait3A_51 = tpu.memref_slice %arg9[%mul3A_0, %dma_wait3A_50] : memref<10240x128xf32, #tpu.memory_space<vmem_shared>> -> memref<640x128xf32, #tpu.memory_space<vmem_shared>>
        %dma_wait3A_52 = arith.constant 0 : i32
        %dma_wait3A_53 = tpu.memref_slice %arg3[%mul3A_0, %dma_wait3A_52] : memref<10240x128xf32, #tpu.memory_space<hbm>> -> memref<640x128xf32, #tpu.memory_space<hbm>>
        tpu.wait_dma2 semaphore(%run_scoped3A : memref<!tpu.dma_semaphore, #tpu.memory_space<semaphore_mem>>) src(%dma_wait3A_53 : memref<640x128xf32, #tpu.memory_space<hbm>>) dst(%dma_wait3A_51 : memref<640x128xf32, #tpu.memory_space<vmem_shared>>)
        tpu.yield
      }) : () -> ()
      %barrier3A = arith.constant 0 : index
      tpu.barrier barrier_id(%barrier3A)
      %scan3A = arith.constant 0 : i32
      %scan3A_25 = arith.constant 0 : i32
      %scan3A_26 = arith.constant 40 : i32
      %scan3A_27 = arith.addi %scan3A_25, %scan3A_26 : i32
      %scan3A_28 = arith.constant 1 : i32
      scf.for %scan3A_46 = %scan3A_25 to %scan3A_27 step %scan3A_28  : i32 {
        %mul3A_47 = arith.constant 2 : i32
        %mul3A_48 = arith.muli %scan3A_46, %mul3A_47 : i32
        %add3A_49 = arith.constant 0 : i32
        %add3A_50 = arith.addi %mul3A_48, %add3A_49 : i32
        %mul3A_51 = arith.constant 16 : i32
        %mul3A_52 = arith.muli %add3A_50, %mul3A_51 : i32
        %add3A_53 = arith.addi %mul3A_52, %arg1 : i32
        %dma_wait3A_54 = arith.constant 0 : i32
        %dma_wait3A_55 = arith.constant 0 : i32
        %dma_wait3A_56 = arith.constant 0 : i32
        %dma_wait3A_57 = arith.constant 0 : i32
        %dma_wait3A_58 = tpu.memref_slice %arg7[%dma_wait3A_55, %dma_wait3A_56, %dma_wait3A_57] : memref<2x2x128xi32, #tpu.memory_space<vmem>> -> memref<1x2x128xi32, #tpu.memory_space<vmem>>
        %dma_wait3A_59 = arith.constant 0 : i32
        %dma_wait3A_60 = arith.constant 0 : i32
        %dma_wait3A_61 = tpu.memref_slice %arg2[%add3A_53, %dma_wait3A_59, %dma_wait3A_60] : memref<1280x2x128xi32, #tpu.memory_space<hbm>> -> memref<1x2x128xi32, #tpu.memory_space<hbm>>
        %dma_wait3A_62 = tpu.memref_slice %arg10[%dma_wait3A_54] : memref<2x!tpu.dma_semaphore, #tpu.memory_space<semaphore_mem>> -> memref<1x!tpu.dma_semaphore, #tpu.memory_space<semaphore_mem>>
        %dma_wait3A_63 = tpu.memref_squeeze %dma_wait3A_62 : memref<1x!tpu.dma_semaphore, #tpu.memory_space<semaphore_mem>> -> memref<!tpu.dma_semaphore, #tpu.memory_space<semaphore_mem>>
        %dma_wait3A_64 = arith.constant 0 : i32
        %dma_wait3A_65 = arith.constant 0 : i32
        %dma_wait3A_66 = arith.constant 0 : i32
        %dma_wait3A_67 = tpu.memref_slice %arg7[%dma_wait3A_64, %dma_wait3A_65, %dma_wait3A_66] : memref<2x2x128xi32, #tpu.memory_space<vmem>> -> memref<1x2x128xi32, #tpu.memory_space<vmem>>
        %dma_wait3A_68 = arith.constant 0 : i32
        %dma_wait3A_69 = arith.constant 0 : i32
        %dma_wait3A_70 = tpu.memref_slice %arg2[%add3A_53, %dma_wait3A_68, %dma_wait3A_69] : memref<1280x2x128xi32, #tpu.memory_space<hbm>> -> memref<1x2x128xi32, #tpu.memory_space<hbm>>
        tpu.wait_dma2 semaphore(%dma_wait3A_63 : memref<!tpu.dma_semaphore, #tpu.memory_space<semaphore_mem>>) src(%dma_wait3A_70 : memref<1x2x128xi32, #tpu.memory_space<hbm>>) dst(%dma_wait3A_67 : memref<1x2x128xi32, #tpu.memory_space<vmem>>)
        %dma_start3A_71 = arith.constant 0 : i32
        %dma_start3A_72 = arith.constant 0 : i32
        %dma_start3A_73 = arith.constant 0 : i32
        %dma_start3A_74 = arith.constant 0 : i32
        %dma_start3A_75 = arith.constant 0 : i32
        %dma_start3A_76 = arith.constant 0 : i32
        %dma_start3A_77 = tpu.memref_slice %arg8[%dma_start3A_73, %dma_start3A_75, %dma_start3A_76] : memref<2x128x128xf32, #tpu.memory_space<vmem>> -> memref<1x128x128xf32, #tpu.memory_space<vmem>>
        %dma_start3A_78 = tpu.memref_squeeze %dma_start3A_77 : memref<1x128x128xf32, #tpu.memory_space<vmem>> -> memref<128x128xf32, #tpu.memory_space<vmem>>
        %dma_start3A_79 = arith.constant 0 : i32
        %dma_start3A_80 = tpu.memref_slice %arg7[%dma_start3A_71, %dma_start3A_72, %dma_start3A_79] : memref<2x2x128xi32, #tpu.memory_space<vmem>> -> memref<1x1x128xi32, #tpu.memory_space<vmem>>
        %dma_start3A_81 = tpu.memref_squeeze %dma_start3A_80 : memref<1x1x128xi32, #tpu.memory_space<vmem>> -> memref<128xi32, #tpu.memory_space<vmem>>
        %dma_start3A_82 = arith.constant 0 : i32
        %dma_start3A_83 = arith.constant 0 : i32
        %dma_start3A_84 = tpu.memref_slice %arg3[%dma_start3A_82, %dma_start3A_83] : memref<10240x128xf32, #tpu.memory_space<hbm>> -> memref<10240x128xf32, #tpu.memory_space<hbm>>
        %dma_start3A_85 = tpu.memref_slice %arg11[%dma_start3A_74] : memref<2x!tpu.dma_semaphore, #tpu.memory_space<semaphore_mem>> -> memref<1x!tpu.dma_semaphore, #tpu.memory_space<semaphore_mem>>
        %dma_start3A_86 = tpu.memref_squeeze %dma_start3A_85 : memref<1x!tpu.dma_semaphore, #tpu.memory_space<semaphore_mem>> -> memref<!tpu.dma_semaphore, #tpu.memory_space<semaphore_mem>>
        tpu.enqueue_indirect_dma source(%dma_start3A_84 : memref<10240x128xf32, #tpu.memory_space<hbm>>) target(%dma_start3A_78 : memref<128x128xf32, #tpu.memory_space<vmem>>) offsets(%dma_start3A_81 : memref<128xi32, #tpu.memory_space<vmem>>) semaphore(%dma_start3A_86 : memref<!tpu.dma_semaphore, #tpu.memory_space<semaphore_mem>>)
        %ge3A = arith.constant 1 : i32
        %ge3A_87 = arith.cmpi sge, %add3A_50, %ge3A : i32
        %convert_element_type3A_88 = arith.extui %ge3A_87 : i1 to i32
        %cond3A_89 = arith.constant 0 : i32
        %cond3A_90 = arith.cmpi ne, %convert_element_type3A_88, %cond3A_89 : i32
        scf.if %cond3A_90 {
          %dma_wait3A_213 = arith.constant 1 : i32
          %dma_wait3A_214 = arith.constant 1 : i32
          %dma_wait3A_215 = arith.constant 1 : i32
          %dma_wait3A_216 = arith.constant 1 : i32
          %dma_wait3A_217 = arith.constant 0 : i32
          %dma_wait3A_218 = arith.constant 0 : i32
          %dma_wait3A_219 = tpu.memref_slice %arg8[%dma_wait3A_213, %dma_wait3A_217, %dma_wait3A_218] : memref<2x128x128xf32, #tpu.memory_space<vmem>> -> memref<1x128x128xf32, #tpu.memory_space<vmem>>
          %dma_wait3A_220 = tpu.memref_squeeze %dma_wait3A_219 : memref<1x128x128xf32, #tpu.memory_space<vmem>> -> memref<128x128xf32, #tpu.memory_space<vmem>>
          %dma_wait3A_221 = arith.constant 0 : i32
          %dma_wait3A_222 = tpu.memref_slice %arg7[%dma_wait3A_214, %dma_wait3A_215, %dma_wait3A_221] : memref<2x2x128xi32, #tpu.memory_space<vmem>> -> memref<1x1x128xi32, #tpu.memory_space<vmem>>
          %dma_wait3A_223 = tpu.memref_squeeze %dma_wait3A_222 : memref<1x1x128xi32, #tpu.memory_space<vmem>> -> memref<128xi32, #tpu.memory_space<vmem>>
          %dma_wait3A_224 = arith.constant 0 : i32
          %dma_wait3A_225 = arith.constant 0 : i32
          %dma_wait3A_226 = tpu.memref_slice %arg9[%dma_wait3A_224, %dma_wait3A_225] : memref<10240x128xf32, #tpu.memory_space<vmem_shared>> -> memref<10240x128xf32, #tpu.memory_space<vmem_shared>>
          %dma_wait3A_227 = tpu.memref_slice %arg12[%dma_wait3A_216] : memref<2x!tpu.dma_semaphore, #tpu.memory_space<semaphore_mem>> -> memref<1x!tpu.dma_semaphore, #tpu.memory_space<semaphore_mem>>
          %dma_wait3A_228 = tpu.memref_squeeze %dma_wait3A_227 : memref<1x!tpu.dma_semaphore, #tpu.memory_space<semaphore_mem>> -> memref<!tpu.dma_semaphore, #tpu.memory_space<semaphore_mem>>
          tpu.wait_indirect_dma semaphore(%dma_wait3A_228 : memref<!tpu.dma_semaphore, #tpu.memory_space<semaphore_mem>>) src(%dma_wait3A_220 : memref<128x128xf32, #tpu.memory_space<vmem>>) dst(%dma_wait3A_226 : memref<10240x128xf32, #tpu.memory_space<vmem_shared>>)
        } else {
        }
        %add3A_91 = arith.constant 1 : i32
        %add3A_92 = arith.addi %add3A_50, %add3A_91 : i32
        %lt3A = arith.constant 80 : i32
        %lt3A_93 = arith.cmpi slt, %add3A_92, %lt3A : i32
        %convert_element_type3A_94 = arith.extui %lt3A_93 : i1 to i32
        %cond3A_95 = arith.constant 0 : i32
        %cond3A_96 = arith.cmpi ne, %convert_element_type3A_94, %cond3A_95 : i32
        scf.if %cond3A_96 {
          %add3A_213 = arith.constant 1 : i32
          %add3A_214 = arith.addi %add3A_50, %add3A_213 : i32
          %mul3A_215 = arith.constant 16 : i32
          %mul3A_216 = arith.muli %add3A_214, %mul3A_215 : i32
          %add3A_217 = arith.addi %mul3A_216, %arg1 : i32
          %dma_start3A_218 = arith.constant 1 : i32
          %dma_start3A_219 = arith.constant 1 : i32
          %dma_start3A_220 = arith.constant 0 : i32
          %dma_start3A_221 = arith.constant 0 : i32
          %dma_start3A_222 = tpu.memref_slice %arg7[%dma_start3A_219, %dma_start3A_220, %dma_start3A_221] : memref<2x2x128xi32, #tpu.memory_space<vmem>> -> memref<1x2x128xi32, #tpu.memory_space<vmem>>
          %dma_start3A_223 = arith.constant 0 : i32
          %dma_start3A_224 = arith.constant 0 : i32
          %dma_start3A_225 = tpu.memref_slice %arg2[%add3A_217, %dma_start3A_223, %dma_start3A_224] : memref<1280x2x128xi32, #tpu.memory_space<hbm>> -> memref<1x2x128xi32, #tpu.memory_space<hbm>>
          %dma_start3A_226 = tpu.memref_slice %arg10[%dma_start3A_218] : memref<2x!tpu.dma_semaphore, #tpu.memory_space<semaphore_mem>> -> memref<1x!tpu.dma_semaphore, #tpu.memory_space<semaphore_mem>>
          %dma_start3A_227 = tpu.memref_squeeze %dma_start3A_226 : memref<1x!tpu.dma_semaphore, #tpu.memory_space<semaphore_mem>> -> memref<!tpu.dma_semaphore, #tpu.memory_space<semaphore_mem>>
          %dma_start3A_228 = arith.constant 1 : i32
          %dma_start3A_229 = arith.constant 0 : i32
          %dma_start3A_230 = arith.constant 0 : i32
          %dma_start3A_231 = tpu.memref_slice %arg7[%dma_start3A_228, %dma_start3A_229, %dma_start3A_230] : memref<2x2x128xi32, #tpu.memory_space<vmem>> -> memref<1x2x128xi32, #tpu.memory_space<vmem>>
          %dma_start3A_232 = arith.constant 0 : i32
          %dma_start3A_233 = arith.constant 0 : i32
          %dma_start3A_234 = tpu.memref_slice %arg2[%add3A_217, %dma_start3A_232, %dma_start3A_233] : memref<1280x2x128xi32, #tpu.memory_space<hbm>> -> memref<1x2x128xi32, #tpu.memory_space<hbm>>
          tpu.enqueue_dma source(%dma_start3A_234 : memref<1x2x128xi32, #tpu.memory_space<hbm>>) target(%dma_start3A_231 : memref<1x2x128xi32, #tpu.memory_space<vmem>>) target_semaphore(%dma_start3A_227 : memref<!tpu.dma_semaphore, #tpu.memory_space<semaphore_mem>>)
        } else {
        }
        %dma_wait3A_97 = arith.constant 0 : i32
        %dma_wait3A_98 = arith.constant 0 : i32
        %dma_wait3A_99 = arith.constant 0 : i32
        %dma_wait3A_100 = arith.constant 0 : i32
        %dma_wait3A_101 = arith.constant 0 : i32
        %dma_wait3A_102 = arith.constant 0 : i32
        %dma_wait3A_103 = tpu.memref_slice %arg8[%dma_wait3A_99, %dma_wait3A_101, %dma_wait3A_102] : memref<2x128x128xf32, #tpu.memory_space<vmem>> -> memref<1x128x128xf32, #tpu.memory_space<vmem>>
        %dma_wait3A_104 = tpu.memref_squeeze %dma_wait3A_103 : memref<1x128x128xf32, #tpu.memory_space<vmem>> -> memref<128x128xf32, #tpu.memory_space<vmem>>
        %dma_wait3A_105 = arith.constant 0 : i32
        %dma_wait3A_106 = tpu.memref_slice %arg7[%dma_wait3A_97, %dma_wait3A_98, %dma_wait3A_105] : memref<2x2x128xi32, #tpu.memory_space<vmem>> -> memref<1x1x128xi32, #tpu.memory_space<vmem>>
        %dma_wait3A_107 = tpu.memref_squeeze %dma_wait3A_106 : memref<1x1x128xi32, #tpu.memory_space<vmem>> -> memref<128xi32, #tpu.memory_space<vmem>>
        %dma_wait3A_108 = arith.constant 0 : i32
        %dma_wait3A_109 = arith.constant 0 : i32
        %dma_wait3A_110 = tpu.memref_slice %arg3[%dma_wait3A_108, %dma_wait3A_109] : memref<10240x128xf32, #tpu.memory_space<hbm>> -> memref<10240x128xf32, #tpu.memory_space<hbm>>
        %dma_wait3A_111 = tpu.memref_slice %arg11[%dma_wait3A_100] : memref<2x!tpu.dma_semaphore, #tpu.memory_space<semaphore_mem>> -> memref<1x!tpu.dma_semaphore, #tpu.memory_space<semaphore_mem>>
        %dma_wait3A_112 = tpu.memref_squeeze %dma_wait3A_111 : memref<1x!tpu.dma_semaphore, #tpu.memory_space<semaphore_mem>> -> memref<!tpu.dma_semaphore, #tpu.memory_space<semaphore_mem>>
        tpu.wait_indirect_dma semaphore(%dma_wait3A_112 : memref<!tpu.dma_semaphore, #tpu.memory_space<semaphore_mem>>) src(%dma_wait3A_110 : memref<10240x128xf32, #tpu.memory_space<hbm>>) dst(%dma_wait3A_104 : memref<128x128xf32, #tpu.memory_space<vmem>>)
        %dma_start3A_113 = arith.constant 0 : i32
        %dma_start3A_114 = arith.constant 0 : i32
        %dma_start3A_115 = arith.constant 1 : i32
        %dma_start3A_116 = arith.constant 0 : i32
        %dma_start3A_117 = arith.constant 0 : i32
        %dma_start3A_118 = arith.constant 0 : i32
        %dma_start3A_119 = tpu.memref_slice %arg8[%dma_start3A_113, %dma_start3A_117, %dma_start3A_118] : memref<2x128x128xf32, #tpu.memory_space<vmem>> -> memref<1x128x128xf32, #tpu.memory_space<vmem>>
        %dma_start3A_120 = tpu.memref_squeeze %dma_start3A_119 : memref<1x128x128xf32, #tpu.memory_space<vmem>> -> memref<128x128xf32, #tpu.memory_space<vmem>>
        %dma_start3A_121 = arith.constant 0 : i32
        %dma_start3A_122 = tpu.memref_slice %arg7[%dma_start3A_114, %dma_start3A_115, %dma_start3A_121] : memref<2x2x128xi32, #tpu.memory_space<vmem>> -> memref<1x1x128xi32, #tpu.memory_space<vmem>>
        %dma_start3A_123 = tpu.memref_squeeze %dma_start3A_122 : memref<1x1x128xi32, #tpu.memory_space<vmem>> -> memref<128xi32, #tpu.memory_space<vmem>>
        %dma_start3A_124 = arith.constant 0 : i32
        %dma_start3A_125 = arith.constant 0 : i32
        %dma_start3A_126 = tpu.memref_slice %arg9[%dma_start3A_124, %dma_start3A_125] : memref<10240x128xf32, #tpu.memory_space<vmem_shared>> -> memref<10240x128xf32, #tpu.memory_space<vmem_shared>>
        %dma_start3A_127 = tpu.memref_slice %arg12[%dma_start3A_116] : memref<2x!tpu.dma_semaphore, #tpu.memory_space<semaphore_mem>> -> memref<1x!tpu.dma_semaphore, #tpu.memory_space<semaphore_mem>>
        %dma_start3A_128 = tpu.memref_squeeze %dma_start3A_127 : memref<1x!tpu.dma_semaphore, #tpu.memory_space<semaphore_mem>> -> memref<!tpu.dma_semaphore, #tpu.memory_space<semaphore_mem>>
        tpu.enqueue_indirect_dma source(%dma_start3A_120 : memref<128x128xf32, #tpu.memory_space<vmem>>) target(%dma_start3A_126 : memref<10240x128xf32, #tpu.memory_space<vmem_shared>>) offsets(%dma_start3A_123 : memref<128xi32, #tpu.memory_space<vmem>>) semaphore(%dma_start3A_128 : memref<!tpu.dma_semaphore, #tpu.memory_space<semaphore_mem>>) {add = true}
        %mul3A_129 = arith.constant 2 : i32
        %mul3A_130 = arith.muli %scan3A_46, %mul3A_129 : i32
        %add3A_131 = arith.constant 1 : i32
        %add3A_132 = arith.addi %mul3A_130, %add3A_131 : i32
        %mul3A_133 = arith.constant 16 : i32
        %mul3A_134 = arith.muli %add3A_132, %mul3A_133 : i32
        %add3A_135 = arith.addi %mul3A_134, %arg1 : i32
        %dma_wait3A_136 = arith.constant 1 : i32
        %dma_wait3A_137 = arith.constant 1 : i32
        %dma_wait3A_138 = arith.constant 0 : i32
        %dma_wait3A_139 = arith.constant 0 : i32
        %dma_wait3A_140 = tpu.memref_slice %arg7[%dma_wait3A_137, %dma_wait3A_138, %dma_wait3A_139] : memref<2x2x128xi32, #tpu.memory_space<vmem>> -> memref<1x2x128xi32, #tpu.memory_space<vmem>>
        %dma_wait3A_141 = arith.constant 0 : i32
        %dma_wait3A_142 = arith.constant 0 : i32
        %dma_wait3A_143 = tpu.memref_slice %arg2[%add3A_135, %dma_wait3A_141, %dma_wait3A_142] : memref<1280x2x128xi32, #tpu.memory_space<hbm>> -> memref<1x2x128xi32, #tpu.memory_space<hbm>>
        %dma_wait3A_144 = tpu.memref_slice %arg10[%dma_wait3A_136] : memref<2x!tpu.dma_semaphore, #tpu.memory_space<semaphore_mem>> -> memref<1x!tpu.dma_semaphore, #tpu.memory_space<semaphore_mem>>
        %dma_wait3A_145 = tpu.memref_squeeze %dma_wait3A_144 : memref<1x!tpu.dma_semaphore, #tpu.memory_space<semaphore_mem>> -> memref<!tpu.dma_semaphore, #tpu.memory_space<semaphore_mem>>
        %dma_wait3A_146 = arith.constant 1 : i32
        %dma_wait3A_147 = arith.constant 0 : i32
        %dma_wait3A_148 = arith.constant 0 : i32
        %dma_wait3A_149 = tpu.memref_slice %arg7[%dma_wait3A_146, %dma_wait3A_147, %dma_wait3A_148] : memref<2x2x128xi32, #tpu.memory_space<vmem>> -> memref<1x2x128xi32, #tpu.memory_space<vmem>>
        %dma_wait3A_150 = arith.constant 0 : i32
        %dma_wait3A_151 = arith.constant 0 : i32
        %dma_wait3A_152 = tpu.memref_slice %arg2[%add3A_135, %dma_wait3A_150, %dma_wait3A_151] : memref<1280x2x128xi32, #tpu.memory_space<hbm>> -> memref<1x2x128xi32, #tpu.memory_space<hbm>>
        tpu.wait_dma2 semaphore(%dma_wait3A_145 : memref<!tpu.dma_semaphore, #tpu.memory_space<semaphore_mem>>) src(%dma_wait3A_152 : memref<1x2x128xi32, #tpu.memory_space<hbm>>) dst(%dma_wait3A_149 : memref<1x2x128xi32, #tpu.memory_space<vmem>>)
        %dma_start3A_153 = arith.constant 1 : i32
        %dma_start3A_154 = arith.constant 0 : i32
        %dma_start3A_155 = arith.constant 1 : i32
        %dma_start3A_156 = arith.constant 1 : i32
        %dma_start3A_157 = arith.constant 0 : i32
        %dma_start3A_158 = arith.constant 0 : i32
        %dma_start3A_159 = tpu.memref_slice %arg8[%dma_start3A_155, %dma_start3A_157, %dma_start3A_158] : memref<2x128x128xf32, #tpu.memory_space<vmem>> -> memref<1x128x128xf32, #tpu.memory_space<vmem>>
        %dma_start3A_160 = tpu.memref_squeeze %dma_start3A_159 : memref<1x128x128xf32, #tpu.memory_space<vmem>> -> memref<128x128xf32, #tpu.memory_space<vmem>>
        %dma_start3A_161 = arith.constant 0 : i32
        %dma_start3A_162 = tpu.memref_slice %arg7[%dma_start3A_153, %dma_start3A_154, %dma_start3A_161] : memref<2x2x128xi32, #tpu.memory_space<vmem>> -> memref<1x1x128xi32, #tpu.memory_space<vmem>>
        %dma_start3A_163 = tpu.memref_squeeze %dma_start3A_162 : memref<1x1x128xi32, #tpu.memory_space<vmem>> -> memref<128xi32, #tpu.memory_space<vmem>>
        %dma_start3A_164 = arith.constant 0 : i32
        %dma_start3A_165 = arith.constant 0 : i32
        %dma_start3A_166 = tpu.memref_slice %arg3[%dma_start3A_164, %dma_start3A_165] : memref<10240x128xf32, #tpu.memory_space<hbm>> -> memref<10240x128xf32, #tpu.memory_space<hbm>>
        %dma_start3A_167 = tpu.memref_slice %arg11[%dma_start3A_156] : memref<2x!tpu.dma_semaphore, #tpu.memory_space<semaphore_mem>> -> memref<1x!tpu.dma_semaphore, #tpu.memory_space<semaphore_mem>>
        %dma_start3A_168 = tpu.memref_squeeze %dma_start3A_167 : memref<1x!tpu.dma_semaphore, #tpu.memory_space<semaphore_mem>> -> memref<!tpu.dma_semaphore, #tpu.memory_space<semaphore_mem>>
        tpu.enqueue_indirect_dma source(%dma_start3A_166 : memref<10240x128xf32, #tpu.memory_space<hbm>>) target(%dma_start3A_160 : memref<128x128xf32, #tpu.memory_space<vmem>>) offsets(%dma_start3A_163 : memref<128xi32, #tpu.memory_space<vmem>>) semaphore(%dma_start3A_168 : memref<!tpu.dma_semaphore, #tpu.memory_space<semaphore_mem>>)
        %ge3A_169 = arith.constant 1 : i32
        %ge3A_170 = arith.cmpi sge, %add3A_132, %ge3A_169 : i32
        %convert_element_type3A_171 = arith.extui %ge3A_170 : i1 to i32
        %cond3A_172 = arith.constant 0 : i32
        %cond3A_173 = arith.cmpi ne, %convert_element_type3A_171, %cond3A_172 : i32
        scf.if %cond3A_173 {
          %dma_wait3A_213 = arith.constant 0 : i32
          %dma_wait3A_214 = arith.constant 0 : i32
          %dma_wait3A_215 = arith.constant 1 : i32
          %dma_wait3A_216 = arith.constant 0 : i32
          %dma_wait3A_217 = arith.constant 0 : i32
          %dma_wait3A_218 = arith.constant 0 : i32
          %dma_wait3A_219 = tpu.memref_slice %arg8[%dma_wait3A_213, %dma_wait3A_217, %dma_wait3A_218] : memref<2x128x128xf32, #tpu.memory_space<vmem>> -> memref<1x128x128xf32, #tpu.memory_space<vmem>>
          %dma_wait3A_220 = tpu.memref_squeeze %dma_wait3A_219 : memref<1x128x128xf32, #tpu.memory_space<vmem>> -> memref<128x128xf32, #tpu.memory_space<vmem>>
          %dma_wait3A_221 = arith.constant 0 : i32
          %dma_wait3A_222 = tpu.memref_slice %arg7[%dma_wait3A_214, %dma_wait3A_215, %dma_wait3A_221] : memref<2x2x128xi32, #tpu.memory_space<vmem>> -> memref<1x1x128xi32, #tpu.memory_space<vmem>>
          %dma_wait3A_223 = tpu.memref_squeeze %dma_wait3A_222 : memref<1x1x128xi32, #tpu.memory_space<vmem>> -> memref<128xi32, #tpu.memory_space<vmem>>
          %dma_wait3A_224 = arith.constant 0 : i32
          %dma_wait3A_225 = arith.constant 0 : i32
          %dma_wait3A_226 = tpu.memref_slice %arg9[%dma_wait3A_224, %dma_wait3A_225] : memref<10240x128xf32, #tpu.memory_space<vmem_shared>> -> memref<10240x128xf32, #tpu.memory_space<vmem_shared>>
          %dma_wait3A_227 = tpu.memref_slice %arg12[%dma_wait3A_216] : memref<2x!tpu.dma_semaphore, #tpu.memory_space<semaphore_mem>> -> memref<1x!tpu.dma_semaphore, #tpu.memory_space<semaphore_mem>>
          %dma_wait3A_228 = tpu.memref_squeeze %dma_wait3A_227 : memref<1x!tpu.dma_semaphore, #tpu.memory_space<semaphore_mem>> -> memref<!tpu.dma_semaphore, #tpu.memory_space<semaphore_mem>>
          tpu.wait_indirect_dma semaphore(%dma_wait3A_228 : memref<!tpu.dma_semaphore, #tpu.memory_space<semaphore_mem>>) src(%dma_wait3A_220 : memref<128x128xf32, #tpu.memory_space<vmem>>) dst(%dma_wait3A_226 : memref<10240x128xf32, #tpu.memory_space<vmem_shared>>)
        } else {
        }
        %add3A_174 = arith.constant 1 : i32
        %add3A_175 = arith.addi %add3A_132, %add3A_174 : i32
        %lt3A_176 = arith.constant 80 : i32
        %lt3A_177 = arith.cmpi slt, %add3A_175, %lt3A_176 : i32
        %convert_element_type3A_178 = arith.extui %lt3A_177 : i1 to i32
        %cond3A_179 = arith.constant 0 : i32
        %cond3A_180 = arith.cmpi ne, %convert_element_type3A_178, %cond3A_179 : i32
        scf.if %cond3A_180 {
          %add3A_213 = arith.constant 1 : i32
          %add3A_214 = arith.addi %add3A_132, %add3A_213 : i32
          %mul3A_215 = arith.constant 16 : i32
          %mul3A_216 = arith.muli %add3A_214, %mul3A_215 : i32
          %add3A_217 = arith.addi %mul3A_216, %arg1 : i32
          %dma_start3A_218 = arith.constant 0 : i32
          %dma_start3A_219 = arith.constant 0 : i32
          %dma_start3A_220 = arith.constant 0 : i32
          %dma_start3A_221 = arith.constant 0 : i32
          %dma_start3A_222 = tpu.memref_slice %arg7[%dma_start3A_219, %dma_start3A_220, %dma_start3A_221] : memref<2x2x128xi32, #tpu.memory_space<vmem>> -> memref<1x2x128xi32, #tpu.memory_space<vmem>>
          %dma_start3A_223 = arith.constant 0 : i32
          %dma_start3A_224 = arith.constant 0 : i32
          %dma_start3A_225 = tpu.memref_slice %arg2[%add3A_217, %dma_start3A_223, %dma_start3A_224] : memref<1280x2x128xi32, #tpu.memory_space<hbm>> -> memref<1x2x128xi32, #tpu.memory_space<hbm>>
          %dma_start3A_226 = tpu.memref_slice %arg10[%dma_start3A_218] : memref<2x!tpu.dma_semaphore, #tpu.memory_space<semaphore_mem>> -> memref<1x!tpu.dma_semaphore, #tpu.memory_space<semaphore_mem>>
          %dma_start3A_227 = tpu.memref_squeeze %dma_start3A_226 : memref<1x!tpu.dma_semaphore, #tpu.memory_space<semaphore_mem>> -> memref<!tpu.dma_semaphore, #tpu.memory_space<semaphore_mem>>
          %dma_start3A_228 = arith.constant 0 : i32
          %dma_start3A_229 = arith.constant 0 : i32
          %dma_start3A_230 = arith.constant 0 : i32
          %dma_start3A_231 = tpu.memref_slice %arg7[%dma_start3A_228, %dma_start3A_229, %dma_start3A_230] : memref<2x2x128xi32, #tpu.memory_space<vmem>> -> memref<1x2x128xi32, #tpu.memory_space<vmem>>
          %dma_start3A_232 = arith.constant 0 : i32
          %dma_start3A_233 = arith.constant 0 : i32
          %dma_start3A_234 = tpu.memref_slice %arg2[%add3A_217, %dma_start3A_232, %dma_start3A_233] : memref<1280x2x128xi32, #tpu.memory_space<hbm>> -> memref<1x2x128xi32, #tpu.memory_space<hbm>>
          tpu.enqueue_dma source(%dma_start3A_234 : memref<1x2x128xi32, #tpu.memory_space<hbm>>) target(%dma_start3A_231 : memref<1x2x128xi32, #tpu.memory_space<vmem>>) target_semaphore(%dma_start3A_227 : memref<!tpu.dma_semaphore, #tpu.memory_space<semaphore_mem>>)
        } else {
        }
        %dma_wait3A_181 = arith.constant 1 : i32
        %dma_wait3A_182 = arith.constant 0 : i32
        %dma_wait3A_183 = arith.constant 1 : i32
        %dma_wait3A_184 = arith.constant 1 : i32
        %dma_wait3A_185 = arith.constant 0 : i32
        %dma_wait3A_186 = arith.constant 0 : i32
        %dma_wait3A_187 = tpu.memref_slice %arg8[%dma_wait3A_183, %dma_wait3A_185, %dma_wait3A_186] : memref<2x128x128xf32, #tpu.memory_space<vmem>> -> memref<1x128x128xf32, #tpu.memory_space<vmem>>
        %dma_wait3A_188 = tpu.memref_squeeze %dma_wait3A_187 : memref<1x128x128xf32, #tpu.memory_space<vmem>> -> memref<128x128xf32, #tpu.memory_space<vmem>>
        %dma_wait3A_189 = arith.constant 0 : i32
        %dma_wait3A_190 = tpu.memref_slice %arg7[%dma_wait3A_181, %dma_wait3A_182, %dma_wait3A_189] : memref<2x2x128xi32, #tpu.memory_space<vmem>> -> memref<1x1x128xi32, #tpu.memory_space<vmem>>
        %dma_wait3A_191 = tpu.memref_squeeze %dma_wait3A_190 : memref<1x1x128xi32, #tpu.memory_space<vmem>> -> memref<128xi32, #tpu.memory_space<vmem>>
        %dma_wait3A_192 = arith.constant 0 : i32
        %dma_wait3A_193 = arith.constant 0 : i32
        %dma_wait3A_194 = tpu.memref_slice %arg3[%dma_wait3A_192, %dma_wait3A_193] : memref<10240x128xf32, #tpu.memory_space<hbm>> -> memref<10240x128xf32, #tpu.memory_space<hbm>>
        %dma_wait3A_195 = tpu.memref_slice %arg11[%dma_wait3A_184] : memref<2x!tpu.dma_semaphore, #tpu.memory_space<semaphore_mem>> -> memref<1x!tpu.dma_semaphore, #tpu.memory_space<semaphore_mem>>
        %dma_wait3A_196 = tpu.memref_squeeze %dma_wait3A_195 : memref<1x!tpu.dma_semaphore, #tpu.memory_space<semaphore_mem>> -> memref<!tpu.dma_semaphore, #tpu.memory_space<semaphore_mem>>
        tpu.wait_indirect_dma semaphore(%dma_wait3A_196 : memref<!tpu.dma_semaphore, #tpu.memory_space<semaphore_mem>>) src(%dma_wait3A_194 : memref<10240x128xf32, #tpu.memory_space<hbm>>) dst(%dma_wait3A_188 : memref<128x128xf32, #tpu.memory_space<vmem>>)
        %dma_start3A_197 = arith.constant 1 : i32
        %dma_start3A_198 = arith.constant 1 : i32
        %dma_start3A_199 = arith.constant 1 : i32
        %dma_start3A_200 = arith.constant 1 : i32
        %dma_start3A_201 = arith.constant 0 : i32
        %dma_start3A_202 = arith.constant 0 : i32
        %dma_start3A_203 = tpu.memref_slice %arg8[%dma_start3A_197, %dma_start3A_201, %dma_start3A_202] : memref<2x128x128xf32, #tpu.memory_space<vmem>> -> memref<1x128x128xf32, #tpu.memory_space<vmem>>
        %dma_start3A_204 = tpu.memref_squeeze %dma_start3A_203 : memref<1x128x128xf32, #tpu.memory_space<vmem>> -> memref<128x128xf32, #tpu.memory_space<vmem>>
        %dma_start3A_205 = arith.constant 0 : i32
        %dma_start3A_206 = tpu.memref_slice %arg7[%dma_start3A_198, %dma_start3A_199, %dma_start3A_205] : memref<2x2x128xi32, #tpu.memory_space<vmem>> -> memref<1x1x128xi32, #tpu.memory_space<vmem>>
        %dma_start3A_207 = tpu.memref_squeeze %dma_start3A_206 : memref<1x1x128xi32, #tpu.memory_space<vmem>> -> memref<128xi32, #tpu.memory_space<vmem>>
        %dma_start3A_208 = arith.constant 0 : i32
        %dma_start3A_209 = arith.constant 0 : i32
        %dma_start3A_210 = tpu.memref_slice %arg9[%dma_start3A_208, %dma_start3A_209] : memref<10240x128xf32, #tpu.memory_space<vmem_shared>> -> memref<10240x128xf32, #tpu.memory_space<vmem_shared>>
        %dma_start3A_211 = tpu.memref_slice %arg12[%dma_start3A_200] : memref<2x!tpu.dma_semaphore, #tpu.memory_space<semaphore_mem>> -> memref<1x!tpu.dma_semaphore, #tpu.memory_space<semaphore_mem>>
        %dma_start3A_212 = tpu.memref_squeeze %dma_start3A_211 : memref<1x!tpu.dma_semaphore, #tpu.memory_space<semaphore_mem>> -> memref<!tpu.dma_semaphore, #tpu.memory_space<semaphore_mem>>
        tpu.enqueue_indirect_dma source(%dma_start3A_204 : memref<128x128xf32, #tpu.memory_space<vmem>>) target(%dma_start3A_210 : memref<10240x128xf32, #tpu.memory_space<vmem_shared>>) offsets(%dma_start3A_207 : memref<128xi32, #tpu.memory_space<vmem>>) semaphore(%dma_start3A_212 : memref<!tpu.dma_semaphore, #tpu.memory_space<semaphore_mem>>) {add = true}
      }
      %scan3A_29 = arith.constant 40 : i32
      %dma_wait3A = arith.constant 1 : i32
      %dma_wait3A_30 = arith.constant 1 : i32
      %dma_wait3A_31 = arith.constant 1 : i32
      %dma_wait3A_32 = arith.constant 1 : i32
      %dma_wait3A_33 = arith.constant 0 : i32
      %dma_wait3A_34 = arith.constant 0 : i32
      %dma_wait3A_35 = tpu.memref_slice %arg8[%dma_wait3A, %dma_wait3A_33, %dma_wait3A_34] : memref<2x128x128xf32, #tpu.memory_space<vmem>> -> memref<1x128x128xf32, #tpu.memory_space<vmem>>
      %dma_wait3A_36 = tpu.memref_squeeze %dma_wait3A_35 : memref<1x128x128xf32, #tpu.memory_space<vmem>> -> memref<128x128xf32, #tpu.memory_space<vmem>>
      %dma_wait3A_37 = arith.constant 0 : i32
      %dma_wait3A_38 = tpu.memref_slice %arg7[%dma_wait3A_30, %dma_wait3A_31, %dma_wait3A_37] : memref<2x2x128xi32, #tpu.memory_space<vmem>> -> memref<1x1x128xi32, #tpu.memory_space<vmem>>
      %dma_wait3A_39 = tpu.memref_squeeze %dma_wait3A_38 : memref<1x1x128xi32, #tpu.memory_space<vmem>> -> memref<128xi32, #tpu.memory_space<vmem>>
      %dma_wait3A_40 = arith.constant 0 : i32
      %dma_wait3A_41 = arith.constant 0 : i32
      %dma_wait3A_42 = tpu.memref_slice %arg9[%dma_wait3A_40, %dma_wait3A_41] : memref<10240x128xf32, #tpu.memory_space<vmem_shared>> -> memref<10240x128xf32, #tpu.memory_space<vmem_shared>>
      %dma_wait3A_43 = tpu.memref_slice %arg12[%dma_wait3A_32] : memref<2x!tpu.dma_semaphore, #tpu.memory_space<semaphore_mem>> -> memref<1x!tpu.dma_semaphore, #tpu.memory_space<semaphore_mem>>
      %dma_wait3A_44 = tpu.memref_squeeze %dma_wait3A_43 : memref<1x!tpu.dma_semaphore, #tpu.memory_space<semaphore_mem>> -> memref<!tpu.dma_semaphore, #tpu.memory_space<semaphore_mem>>
      tpu.wait_indirect_dma semaphore(%dma_wait3A_44 : memref<!tpu.dma_semaphore, #tpu.memory_space<semaphore_mem>>) src(%dma_wait3A_36 : memref<128x128xf32, #tpu.memory_space<vmem>>) dst(%dma_wait3A_42 : memref<10240x128xf32, #tpu.memory_space<vmem_shared>>)
      %barrier3A_45 = arith.constant 0 : index
      tpu.barrier barrier_id(%barrier3A_45)
      "tpu.region"() ({
        %run_scoped3A = tpu.sem_alloc : memref<!tpu.dma_semaphore, #tpu.memory_space<semaphore_mem>>
        %dma_start3A_46 = arith.constant 0 : i32
        %dma_start3A_47 = tpu.memref_slice %arg5[%mul3A_0, %dma_start3A_46] : memref<10240x128xf32, #tpu.memory_space<hbm>> -> memref<640x128xf32, #tpu.memory_space<hbm>>
        %dma_start3A_48 = arith.constant 0 : i32
        %dma_start3A_49 = tpu.memref_slice %arg9[%mul3A_0, %dma_start3A_48] : memref<10240x128xf32, #tpu.memory_space<vmem_shared>> -> memref<640x128xf32, #tpu.memory_space<vmem_shared>>
        tpu.enqueue_dma source(%dma_start3A_49 : memref<640x128xf32, #tpu.memory_space<vmem_shared>>) target(%dma_start3A_47 : memref<640x128xf32, #tpu.memory_space<hbm>>) target_semaphore(%run_scoped3A : memref<!tpu.dma_semaphore, #tpu.memory_space<semaphore_mem>>)
        %dma_wait3A_50 = arith.constant 0 : i32
        %dma_wait3A_51 = tpu.memref_slice %arg5[%mul3A_0, %dma_wait3A_50] : memref<10240x128xf32, #tpu.memory_space<hbm>> -> memref<640x128xf32, #tpu.memory_space<hbm>>
        %dma_wait3A_52 = arith.constant 0 : i32
        %dma_wait3A_53 = tpu.memref_slice %arg9[%mul3A_0, %dma_wait3A_52] : memref<10240x128xf32, #tpu.memory_space<vmem_shared>> -> memref<640x128xf32, #tpu.memory_space<vmem_shared>>
        tpu.wait_dma2 semaphore(%run_scoped3A : memref<!tpu.dma_semaphore, #tpu.memory_space<semaphore_mem>>) src(%dma_wait3A_53 : memref<640x128xf32, #tpu.memory_space<vmem_shared>>) dst(%dma_wait3A_51 : memref<640x128xf32, #tpu.memory_space<hbm>>)
        tpu.yield
      }) : () -> ()
    } else {
    }
    %eq3A_3 = arith.constant 1 : i32
    %eq3A_4 = arith.cmpi eq, %arg0, %eq3A_3 : i32
    %convert_element_type3A_5 = arith.extui %eq3A_4 : i1 to i32
    %cond3A_6 = arith.constant 0 : i32
    %cond3A_7 = arith.cmpi ne, %convert_element_type3A_5, %cond3A_6 : i32
    scf.if %cond3A_7 {
      %add3A = arith.constant 0 : i32
      %add3A_8 = arith.addi %add3A, %arg1 : i32
      %dma_start3A = arith.constant 0 : i32
      %dma_start3A_9 = arith.constant 0 : i32
      %dma_start3A_10 = arith.constant 0 : i32
      %dma_start3A_11 = arith.constant 0 : i32
      %dma_start3A_12 = tpu.memref_slice %arg7[%dma_start3A_9, %dma_start3A_10, %dma_start3A_11] : memref<2x2x128xi32, #tpu.memory_space<vmem>> -> memref<1x2x128xi32, #tpu.memory_space<vmem>>
      %dma_start3A_13 = arith.constant 0 : i32
      %dma_start3A_14 = arith.constant 0 : i32
      %dma_start3A_15 = tpu.memref_slice %arg2[%add3A_8, %dma_start3A_13, %dma_start3A_14] : memref<1280x2x128xi32, #tpu.memory_space<hbm>> -> memref<1x2x128xi32, #tpu.memory_space<hbm>>
      %dma_start3A_16 = tpu.memref_slice %arg10[%dma_start3A] : memref<2x!tpu.dma_semaphore, #tpu.memory_space<semaphore_mem>> -> memref<1x!tpu.dma_semaphore, #tpu.memory_space<semaphore_mem>>
      %dma_start3A_17 = tpu.memref_squeeze %dma_start3A_16 : memref<1x!tpu.dma_semaphore, #tpu.memory_space<semaphore_mem>> -> memref<!tpu.dma_semaphore, #tpu.memory_space<semaphore_mem>>
      %dma_start3A_18 = arith.constant 0 : i32
      %dma_start3A_19 = arith.constant 0 : i32
      %dma_start3A_20 = arith.constant 0 : i32
      %dma_start3A_21 = tpu.memref_slice %arg7[%dma_start3A_18, %dma_start3A_19, %dma_start3A_20] : memref<2x2x128xi32, #tpu.memory_space<vmem>> -> memref<1x2x128xi32, #tpu.memory_space<vmem>>
      %dma_start3A_22 = arith.constant 0 : i32
      %dma_start3A_23 = arith.constant 0 : i32
      %dma_start3A_24 = tpu.memref_slice %arg2[%add3A_8, %dma_start3A_22, %dma_start3A_23] : memref<1280x2x128xi32, #tpu.memory_space<hbm>> -> memref<1x2x128xi32, #tpu.memory_space<hbm>>
      tpu.enqueue_dma source(%dma_start3A_24 : memref<1x2x128xi32, #tpu.memory_space<hbm>>) target(%dma_start3A_21 : memref<1x2x128xi32, #tpu.memory_space<vmem>>) target_semaphore(%dma_start3A_17 : memref<!tpu.dma_semaphore, #tpu.memory_space<semaphore_mem>>)
      "tpu.region"() ({
        %run_scoped3A = tpu.sem_alloc : memref<!tpu.dma_semaphore, #tpu.memory_space<semaphore_mem>>
        %dma_start3A_46 = arith.constant 0 : i32
        %dma_start3A_47 = tpu.memref_slice %arg9[%mul3A_0, %dma_start3A_46] : memref<10240x128xf32, #tpu.memory_space<vmem_shared>> -> memref<640x128xf32, #tpu.memory_space<vmem_shared>>
        %dma_start3A_48 = arith.constant 0 : i32
        %dma_start3A_49 = tpu.memref_slice %arg4[%mul3A_0, %dma_start3A_48] : memref<10240x128xf32, #tpu.memory_space<hbm>> -> memref<640x128xf32, #tpu.memory_space<hbm>>
        tpu.enqueue_dma source(%dma_start3A_49 : memref<640x128xf32, #tpu.memory_space<hbm>>) target(%dma_start3A_47 : memref<640x128xf32, #tpu.memory_space<vmem_shared>>) target_semaphore(%run_scoped3A : memref<!tpu.dma_semaphore, #tpu.memory_space<semaphore_mem>>)
        %dma_wait3A_50 = arith.constant 0 : i32
        %dma_wait3A_51 = tpu.memref_slice %arg9[%mul3A_0, %dma_wait3A_50] : memref<10240x128xf32, #tpu.memory_space<vmem_shared>> -> memref<640x128xf32, #tpu.memory_space<vmem_shared>>
        %dma_wait3A_52 = arith.constant 0 : i32
        %dma_wait3A_53 = tpu.memref_slice %arg4[%mul3A_0, %dma_wait3A_52] : memref<10240x128xf32, #tpu.memory_space<hbm>> -> memref<640x128xf32, #tpu.memory_space<hbm>>
        tpu.wait_dma2 semaphore(%run_scoped3A : memref<!tpu.dma_semaphore, #tpu.memory_space<semaphore_mem>>) src(%dma_wait3A_53 : memref<640x128xf32, #tpu.memory_space<hbm>>) dst(%dma_wait3A_51 : memref<640x128xf32, #tpu.memory_space<vmem_shared>>)
        tpu.yield
      }) : () -> ()
      %barrier3A = arith.constant 0 : index
      tpu.barrier barrier_id(%barrier3A)
      %scan3A = arith.constant 0 : i32
      %scan3A_25 = arith.constant 0 : i32
      %scan3A_26 = arith.constant 40 : i32
      %scan3A_27 = arith.addi %scan3A_25, %scan3A_26 : i32
      %scan3A_28 = arith.constant 1 : i32
      scf.for %scan3A_46 = %scan3A_25 to %scan3A_27 step %scan3A_28  : i32 {
        %mul3A_47 = arith.constant 2 : i32
        %mul3A_48 = arith.muli %scan3A_46, %mul3A_47 : i32
        %add3A_49 = arith.constant 0 : i32
        %add3A_50 = arith.addi %mul3A_48, %add3A_49 : i32
        %mul3A_51 = arith.constant 16 : i32
        %mul3A_52 = arith.muli %add3A_50, %mul3A_51 : i32
        %add3A_53 = arith.addi %mul3A_52, %arg1 : i32
        %dma_wait3A_54 = arith.constant 0 : i32
        %dma_wait3A_55 = arith.constant 0 : i32
        %dma_wait3A_56 = arith.constant 0 : i32
        %dma_wait3A_57 = arith.constant 0 : i32
        %dma_wait3A_58 = tpu.memref_slice %arg7[%dma_wait3A_55, %dma_wait3A_56, %dma_wait3A_57] : memref<2x2x128xi32, #tpu.memory_space<vmem>> -> memref<1x2x128xi32, #tpu.memory_space<vmem>>
        %dma_wait3A_59 = arith.constant 0 : i32
        %dma_wait3A_60 = arith.constant 0 : i32
        %dma_wait3A_61 = tpu.memref_slice %arg2[%add3A_53, %dma_wait3A_59, %dma_wait3A_60] : memref<1280x2x128xi32, #tpu.memory_space<hbm>> -> memref<1x2x128xi32, #tpu.memory_space<hbm>>
        %dma_wait3A_62 = tpu.memref_slice %arg10[%dma_wait3A_54] : memref<2x!tpu.dma_semaphore, #tpu.memory_space<semaphore_mem>> -> memref<1x!tpu.dma_semaphore, #tpu.memory_space<semaphore_mem>>
        %dma_wait3A_63 = tpu.memref_squeeze %dma_wait3A_62 : memref<1x!tpu.dma_semaphore, #tpu.memory_space<semaphore_mem>> -> memref<!tpu.dma_semaphore, #tpu.memory_space<semaphore_mem>>
        %dma_wait3A_64 = arith.constant 0 : i32
        %dma_wait3A_65 = arith.constant 0 : i32
        %dma_wait3A_66 = arith.constant 0 : i32
        %dma_wait3A_67 = tpu.memref_slice %arg7[%dma_wait3A_64, %dma_wait3A_65, %dma_wait3A_66] : memref<2x2x128xi32, #tpu.memory_space<vmem>> -> memref<1x2x128xi32, #tpu.memory_space<vmem>>
        %dma_wait3A_68 = arith.constant 0 : i32
        %dma_wait3A_69 = arith.constant 0 : i32
        %dma_wait3A_70 = tpu.memref_slice %arg2[%add3A_53, %dma_wait3A_68, %dma_wait3A_69] : memref<1280x2x128xi32, #tpu.memory_space<hbm>> -> memref<1x2x128xi32, #tpu.memory_space<hbm>>
        tpu.wait_dma2 semaphore(%dma_wait3A_63 : memref<!tpu.dma_semaphore, #tpu.memory_space<semaphore_mem>>) src(%dma_wait3A_70 : memref<1x2x128xi32, #tpu.memory_space<hbm>>) dst(%dma_wait3A_67 : memref<1x2x128xi32, #tpu.memory_space<vmem>>)
        %dma_start3A_71 = arith.constant 0 : i32
        %dma_start3A_72 = arith.constant 0 : i32
        %dma_start3A_73 = arith.constant 0 : i32
        %dma_start3A_74 = arith.constant 0 : i32
        %dma_start3A_75 = arith.constant 0 : i32
        %dma_start3A_76 = arith.constant 0 : i32
        %dma_start3A_77 = tpu.memref_slice %arg8[%dma_start3A_73, %dma_start3A_75, %dma_start3A_76] : memref<2x128x128xf32, #tpu.memory_space<vmem>> -> memref<1x128x128xf32, #tpu.memory_space<vmem>>
        %dma_start3A_78 = tpu.memref_squeeze %dma_start3A_77 : memref<1x128x128xf32, #tpu.memory_space<vmem>> -> memref<128x128xf32, #tpu.memory_space<vmem>>
        %dma_start3A_79 = arith.constant 0 : i32
        %dma_start3A_80 = tpu.memref_slice %arg7[%dma_start3A_71, %dma_start3A_72, %dma_start3A_79] : memref<2x2x128xi32, #tpu.memory_space<vmem>> -> memref<1x1x128xi32, #tpu.memory_space<vmem>>
        %dma_start3A_81 = tpu.memref_squeeze %dma_start3A_80 : memref<1x1x128xi32, #tpu.memory_space<vmem>> -> memref<128xi32, #tpu.memory_space<vmem>>
        %dma_start3A_82 = arith.constant 0 : i32
        %dma_start3A_83 = arith.constant 0 : i32
        %dma_start3A_84 = tpu.memref_slice %arg4[%dma_start3A_82, %dma_start3A_83] : memref<10240x128xf32, #tpu.memory_space<hbm>> -> memref<10240x128xf32, #tpu.memory_space<hbm>>
        %dma_start3A_85 = tpu.memref_slice %arg11[%dma_start3A_74] : memref<2x!tpu.dma_semaphore, #tpu.memory_space<semaphore_mem>> -> memref<1x!tpu.dma_semaphore, #tpu.memory_space<semaphore_mem>>
        %dma_start3A_86 = tpu.memref_squeeze %dma_start3A_85 : memref<1x!tpu.dma_semaphore, #tpu.memory_space<semaphore_mem>> -> memref<!tpu.dma_semaphore, #tpu.memory_space<semaphore_mem>>
        tpu.enqueue_indirect_dma source(%dma_start3A_84 : memref<10240x128xf32, #tpu.memory_space<hbm>>) target(%dma_start3A_78 : memref<128x128xf32, #tpu.memory_space<vmem>>) offsets(%dma_start3A_81 : memref<128xi32, #tpu.memory_space<vmem>>) semaphore(%dma_start3A_86 : memref<!tpu.dma_semaphore, #tpu.memory_space<semaphore_mem>>)
        %ge3A = arith.constant 1 : i32
        %ge3A_87 = arith.cmpi sge, %add3A_50, %ge3A : i32
        %convert_element_type3A_88 = arith.extui %ge3A_87 : i1 to i32
        %cond3A_89 = arith.constant 0 : i32
        %cond3A_90 = arith.cmpi ne, %convert_element_type3A_88, %cond3A_89 : i32
        scf.if %cond3A_90 {
          %dma_wait3A_213 = arith.constant 1 : i32
          %dma_wait3A_214 = arith.constant 1 : i32
          %dma_wait3A_215 = arith.constant 1 : i32
          %dma_wait3A_216 = arith.constant 1 : i32
          %dma_wait3A_217 = arith.constant 0 : i32
          %dma_wait3A_218 = arith.constant 0 : i32
          %dma_wait3A_219 = tpu.memref_slice %arg8[%dma_wait3A_213, %dma_wait3A_217, %dma_wait3A_218] : memref<2x128x128xf32, #tpu.memory_space<vmem>> -> memref<1x128x128xf32, #tpu.memory_space<vmem>>
          %dma_wait3A_220 = tpu.memref_squeeze %dma_wait3A_219 : memref<1x128x128xf32, #tpu.memory_space<vmem>> -> memref<128x128xf32, #tpu.memory_space<vmem>>
          %dma_wait3A_221 = arith.constant 0 : i32
          %dma_wait3A_222 = tpu.memref_slice %arg7[%dma_wait3A_214, %dma_wait3A_215, %dma_wait3A_221] : memref<2x2x128xi32, #tpu.memory_space<vmem>> -> memref<1x1x128xi32, #tpu.memory_space<vmem>>
          %dma_wait3A_223 = tpu.memref_squeeze %dma_wait3A_222 : memref<1x1x128xi32, #tpu.memory_space<vmem>> -> memref<128xi32, #tpu.memory_space<vmem>>
          %dma_wait3A_224 = arith.constant 0 : i32
          %dma_wait3A_225 = arith.constant 0 : i32
          %dma_wait3A_226 = tpu.memref_slice %arg9[%dma_wait3A_224, %dma_wait3A_225] : memref<10240x128xf32, #tpu.memory_space<vmem_shared>> -> memref<10240x128xf32, #tpu.memory_space<vmem_shared>>
          %dma_wait3A_227 = tpu.memref_slice %arg12[%dma_wait3A_216] : memref<2x!tpu.dma_semaphore, #tpu.memory_space<semaphore_mem>> -> memref<1x!tpu.dma_semaphore, #tpu.memory_space<semaphore_mem>>
          %dma_wait3A_228 = tpu.memref_squeeze %dma_wait3A_227 : memref<1x!tpu.dma_semaphore, #tpu.memory_space<semaphore_mem>> -> memref<!tpu.dma_semaphore, #tpu.memory_space<semaphore_mem>>
          tpu.wait_indirect_dma semaphore(%dma_wait3A_228 : memref<!tpu.dma_semaphore, #tpu.memory_space<semaphore_mem>>) src(%dma_wait3A_220 : memref<128x128xf32, #tpu.memory_space<vmem>>) dst(%dma_wait3A_226 : memref<10240x128xf32, #tpu.memory_space<vmem_shared>>)
        } else {
        }
        %add3A_91 = arith.constant 1 : i32
        %add3A_92 = arith.addi %add3A_50, %add3A_91 : i32
        %lt3A = arith.constant 80 : i32
        %lt3A_93 = arith.cmpi slt, %add3A_92, %lt3A : i32
        %convert_element_type3A_94 = arith.extui %lt3A_93 : i1 to i32
        %cond3A_95 = arith.constant 0 : i32
        %cond3A_96 = arith.cmpi ne, %convert_element_type3A_94, %cond3A_95 : i32
        scf.if %cond3A_96 {
          %add3A_213 = arith.constant 1 : i32
          %add3A_214 = arith.addi %add3A_50, %add3A_213 : i32
          %mul3A_215 = arith.constant 16 : i32
          %mul3A_216 = arith.muli %add3A_214, %mul3A_215 : i32
          %add3A_217 = arith.addi %mul3A_216, %arg1 : i32
          %dma_start3A_218 = arith.constant 1 : i32
          %dma_start3A_219 = arith.constant 1 : i32
          %dma_start3A_220 = arith.constant 0 : i32
          %dma_start3A_221 = arith.constant 0 : i32
          %dma_start3A_222 = tpu.memref_slice %arg7[%dma_start3A_219, %dma_start3A_220, %dma_start3A_221] : memref<2x2x128xi32, #tpu.memory_space<vmem>> -> memref<1x2x128xi32, #tpu.memory_space<vmem>>
          %dma_start3A_223 = arith.constant 0 : i32
          %dma_start3A_224 = arith.constant 0 : i32
          %dma_start3A_225 = tpu.memref_slice %arg2[%add3A_217, %dma_start3A_223, %dma_start3A_224] : memref<1280x2x128xi32, #tpu.memory_space<hbm>> -> memref<1x2x128xi32, #tpu.memory_space<hbm>>
          %dma_start3A_226 = tpu.memref_slice %arg10[%dma_start3A_218] : memref<2x!tpu.dma_semaphore, #tpu.memory_space<semaphore_mem>> -> memref<1x!tpu.dma_semaphore, #tpu.memory_space<semaphore_mem>>
          %dma_start3A_227 = tpu.memref_squeeze %dma_start3A_226 : memref<1x!tpu.dma_semaphore, #tpu.memory_space<semaphore_mem>> -> memref<!tpu.dma_semaphore, #tpu.memory_space<semaphore_mem>>
          %dma_start3A_228 = arith.constant 1 : i32
          %dma_start3A_229 = arith.constant 0 : i32
          %dma_start3A_230 = arith.constant 0 : i32
          %dma_start3A_231 = tpu.memref_slice %arg7[%dma_start3A_228, %dma_start3A_229, %dma_start3A_230] : memref<2x2x128xi32, #tpu.memory_space<vmem>> -> memref<1x2x128xi32, #tpu.memory_space<vmem>>
          %dma_start3A_232 = arith.constant 0 : i32
          %dma_start3A_233 = arith.constant 0 : i32
          %dma_start3A_234 = tpu.memref_slice %arg2[%add3A_217, %dma_start3A_232, %dma_start3A_233] : memref<1280x2x128xi32, #tpu.memory_space<hbm>> -> memref<1x2x128xi32, #tpu.memory_space<hbm>>
          tpu.enqueue_dma source(%dma_start3A_234 : memref<1x2x128xi32, #tpu.memory_space<hbm>>) target(%dma_start3A_231 : memref<1x2x128xi32, #tpu.memory_space<vmem>>) target_semaphore(%dma_start3A_227 : memref<!tpu.dma_semaphore, #tpu.memory_space<semaphore_mem>>)
        } else {
        }
        %dma_wait3A_97 = arith.constant 0 : i32
        %dma_wait3A_98 = arith.constant 0 : i32
        %dma_wait3A_99 = arith.constant 0 : i32
        %dma_wait3A_100 = arith.constant 0 : i32
        %dma_wait3A_101 = arith.constant 0 : i32
        %dma_wait3A_102 = arith.constant 0 : i32
        %dma_wait3A_103 = tpu.memref_slice %arg8[%dma_wait3A_99, %dma_wait3A_101, %dma_wait3A_102] : memref<2x128x128xf32, #tpu.memory_space<vmem>> -> memref<1x128x128xf32, #tpu.memory_space<vmem>>
        %dma_wait3A_104 = tpu.memref_squeeze %dma_wait3A_103 : memref<1x128x128xf32, #tpu.memory_space<vmem>> -> memref<128x128xf32, #tpu.memory_space<vmem>>
        %dma_wait3A_105 = arith.constant 0 : i32
        %dma_wait3A_106 = tpu.memref_slice %arg7[%dma_wait3A_97, %dma_wait3A_98, %dma_wait3A_105] : memref<2x2x128xi32, #tpu.memory_space<vmem>> -> memref<1x1x128xi32, #tpu.memory_space<vmem>>
        %dma_wait3A_107 = tpu.memref_squeeze %dma_wait3A_106 : memref<1x1x128xi32, #tpu.memory_space<vmem>> -> memref<128xi32, #tpu.memory_space<vmem>>
        %dma_wait3A_108 = arith.constant 0 : i32
        %dma_wait3A_109 = arith.constant 0 : i32
        %dma_wait3A_110 = tpu.memref_slice %arg4[%dma_wait3A_108, %dma_wait3A_109] : memref<10240x128xf32, #tpu.memory_space<hbm>> -> memref<10240x128xf32, #tpu.memory_space<hbm>>
        %dma_wait3A_111 = tpu.memref_slice %arg11[%dma_wait3A_100] : memref<2x!tpu.dma_semaphore, #tpu.memory_space<semaphore_mem>> -> memref<1x!tpu.dma_semaphore, #tpu.memory_space<semaphore_mem>>
        %dma_wait3A_112 = tpu.memref_squeeze %dma_wait3A_111 : memref<1x!tpu.dma_semaphore, #tpu.memory_space<semaphore_mem>> -> memref<!tpu.dma_semaphore, #tpu.memory_space<semaphore_mem>>
        tpu.wait_indirect_dma semaphore(%dma_wait3A_112 : memref<!tpu.dma_semaphore, #tpu.memory_space<semaphore_mem>>) src(%dma_wait3A_110 : memref<10240x128xf32, #tpu.memory_space<hbm>>) dst(%dma_wait3A_104 : memref<128x128xf32, #tpu.memory_space<vmem>>)
        %dma_start3A_113 = arith.constant 0 : i32
        %dma_start3A_114 = arith.constant 0 : i32
        %dma_start3A_115 = arith.constant 1 : i32
        %dma_start3A_116 = arith.constant 0 : i32
        %dma_start3A_117 = arith.constant 0 : i32
        %dma_start3A_118 = arith.constant 0 : i32
        %dma_start3A_119 = tpu.memref_slice %arg8[%dma_start3A_113, %dma_start3A_117, %dma_start3A_118] : memref<2x128x128xf32, #tpu.memory_space<vmem>> -> memref<1x128x128xf32, #tpu.memory_space<vmem>>
        %dma_start3A_120 = tpu.memref_squeeze %dma_start3A_119 : memref<1x128x128xf32, #tpu.memory_space<vmem>> -> memref<128x128xf32, #tpu.memory_space<vmem>>
        %dma_start3A_121 = arith.constant 0 : i32
        %dma_start3A_122 = tpu.memref_slice %arg7[%dma_start3A_114, %dma_start3A_115, %dma_start3A_121] : memref<2x2x128xi32, #tpu.memory_space<vmem>> -> memref<1x1x128xi32, #tpu.memory_space<vmem>>
        %dma_start3A_123 = tpu.memref_squeeze %dma_start3A_122 : memref<1x1x128xi32, #tpu.memory_space<vmem>> -> memref<128xi32, #tpu.memory_space<vmem>>
        %dma_start3A_124 = arith.constant 0 : i32
        %dma_start3A_125 = arith.constant 0 : i32
        %dma_start3A_126 = tpu.memref_slice %arg9[%dma_start3A_124, %dma_start3A_125] : memref<10240x128xf32, #tpu.memory_space<vmem_shared>> -> memref<10240x128xf32, #tpu.memory_space<vmem_shared>>
        %dma_start3A_127 = tpu.memref_slice %arg12[%dma_start3A_116] : memref<2x!tpu.dma_semaphore, #tpu.memory_space<semaphore_mem>> -> memref<1x!tpu.dma_semaphore, #tpu.memory_space<semaphore_mem>>
        %dma_start3A_128 = tpu.memref_squeeze %dma_start3A_127 : memref<1x!tpu.dma_semaphore, #tpu.memory_space<semaphore_mem>> -> memref<!tpu.dma_semaphore, #tpu.memory_space<semaphore_mem>>
        tpu.enqueue_indirect_dma source(%dma_start3A_120 : memref<128x128xf32, #tpu.memory_space<vmem>>) target(%dma_start3A_126 : memref<10240x128xf32, #tpu.memory_space<vmem_shared>>) offsets(%dma_start3A_123 : memref<128xi32, #tpu.memory_space<vmem>>) semaphore(%dma_start3A_128 : memref<!tpu.dma_semaphore, #tpu.memory_space<semaphore_mem>>) {add = true}
        %mul3A_129 = arith.constant 2 : i32
        %mul3A_130 = arith.muli %scan3A_46, %mul3A_129 : i32
        %add3A_131 = arith.constant 1 : i32
        %add3A_132 = arith.addi %mul3A_130, %add3A_131 : i32
        %mul3A_133 = arith.constant 16 : i32
        %mul3A_134 = arith.muli %add3A_132, %mul3A_133 : i32
        %add3A_135 = arith.addi %mul3A_134, %arg1 : i32
        %dma_wait3A_136 = arith.constant 1 : i32
        %dma_wait3A_137 = arith.constant 1 : i32
        %dma_wait3A_138 = arith.constant 0 : i32
        %dma_wait3A_139 = arith.constant 0 : i32
        %dma_wait3A_140 = tpu.memref_slice %arg7[%dma_wait3A_137, %dma_wait3A_138, %dma_wait3A_139] : memref<2x2x128xi32, #tpu.memory_space<vmem>> -> memref<1x2x128xi32, #tpu.memory_space<vmem>>
        %dma_wait3A_141 = arith.constant 0 : i32
        %dma_wait3A_142 = arith.constant 0 : i32
        %dma_wait3A_143 = tpu.memref_slice %arg2[%add3A_135, %dma_wait3A_141, %dma_wait3A_142] : memref<1280x2x128xi32, #tpu.memory_space<hbm>> -> memref<1x2x128xi32, #tpu.memory_space<hbm>>
        %dma_wait3A_144 = tpu.memref_slice %arg10[%dma_wait3A_136] : memref<2x!tpu.dma_semaphore, #tpu.memory_space<semaphore_mem>> -> memref<1x!tpu.dma_semaphore, #tpu.memory_space<semaphore_mem>>
        %dma_wait3A_145 = tpu.memref_squeeze %dma_wait3A_144 : memref<1x!tpu.dma_semaphore, #tpu.memory_space<semaphore_mem>> -> memref<!tpu.dma_semaphore, #tpu.memory_space<semaphore_mem>>
        %dma_wait3A_146 = arith.constant 1 : i32
        %dma_wait3A_147 = arith.constant 0 : i32
        %dma_wait3A_148 = arith.constant 0 : i32
        %dma_wait3A_149 = tpu.memref_slice %arg7[%dma_wait3A_146, %dma_wait3A_147, %dma_wait3A_148] : memref<2x2x128xi32, #tpu.memory_space<vmem>> -> memref<1x2x128xi32, #tpu.memory_space<vmem>>
        %dma_wait3A_150 = arith.constant 0 : i32
        %dma_wait3A_151 = arith.constant 0 : i32
        %dma_wait3A_152 = tpu.memref_slice %arg2[%add3A_135, %dma_wait3A_150, %dma_wait3A_151] : memref<1280x2x128xi32, #tpu.memory_space<hbm>> -> memref<1x2x128xi32, #tpu.memory_space<hbm>>
        tpu.wait_dma2 semaphore(%dma_wait3A_145 : memref<!tpu.dma_semaphore, #tpu.memory_space<semaphore_mem>>) src(%dma_wait3A_152 : memref<1x2x128xi32, #tpu.memory_space<hbm>>) dst(%dma_wait3A_149 : memref<1x2x128xi32, #tpu.memory_space<vmem>>)
        %dma_start3A_153 = arith.constant 1 : i32
        %dma_start3A_154 = arith.constant 0 : i32
        %dma_start3A_155 = arith.constant 1 : i32
        %dma_start3A_156 = arith.constant 1 : i32
        %dma_start3A_157 = arith.constant 0 : i32
        %dma_start3A_158 = arith.constant 0 : i32
        %dma_start3A_159 = tpu.memref_slice %arg8[%dma_start3A_155, %dma_start3A_157, %dma_start3A_158] : memref<2x128x128xf32, #tpu.memory_space<vmem>> -> memref<1x128x128xf32, #tpu.memory_space<vmem>>
        %dma_start3A_160 = tpu.memref_squeeze %dma_start3A_159 : memref<1x128x128xf32, #tpu.memory_space<vmem>> -> memref<128x128xf32, #tpu.memory_space<vmem>>
        %dma_start3A_161 = arith.constant 0 : i32
        %dma_start3A_162 = tpu.memref_slice %arg7[%dma_start3A_153, %dma_start3A_154, %dma_start3A_161] : memref<2x2x128xi32, #tpu.memory_space<vmem>> -> memref<1x1x128xi32, #tpu.memory_space<vmem>>
        %dma_start3A_163 = tpu.memref_squeeze %dma_start3A_162 : memref<1x1x128xi32, #tpu.memory_space<vmem>> -> memref<128xi32, #tpu.memory_space<vmem>>
        %dma_start3A_164 = arith.constant 0 : i32
        %dma_start3A_165 = arith.constant 0 : i32
        %dma_start3A_166 = tpu.memref_slice %arg4[%dma_start3A_164, %dma_start3A_165] : memref<10240x128xf32, #tpu.memory_space<hbm>> -> memref<10240x128xf32, #tpu.memory_space<hbm>>
        %dma_start3A_167 = tpu.memref_slice %arg11[%dma_start3A_156] : memref<2x!tpu.dma_semaphore, #tpu.memory_space<semaphore_mem>> -> memref<1x!tpu.dma_semaphore, #tpu.memory_space<semaphore_mem>>
        %dma_start3A_168 = tpu.memref_squeeze %dma_start3A_167 : memref<1x!tpu.dma_semaphore, #tpu.memory_space<semaphore_mem>> -> memref<!tpu.dma_semaphore, #tpu.memory_space<semaphore_mem>>
        tpu.enqueue_indirect_dma source(%dma_start3A_166 : memref<10240x128xf32, #tpu.memory_space<hbm>>) target(%dma_start3A_160 : memref<128x128xf32, #tpu.memory_space<vmem>>) offsets(%dma_start3A_163 : memref<128xi32, #tpu.memory_space<vmem>>) semaphore(%dma_start3A_168 : memref<!tpu.dma_semaphore, #tpu.memory_space<semaphore_mem>>)
        %ge3A_169 = arith.constant 1 : i32
        %ge3A_170 = arith.cmpi sge, %add3A_132, %ge3A_169 : i32
        %convert_element_type3A_171 = arith.extui %ge3A_170 : i1 to i32
        %cond3A_172 = arith.constant 0 : i32
        %cond3A_173 = arith.cmpi ne, %convert_element_type3A_171, %cond3A_172 : i32
        scf.if %cond3A_173 {
          %dma_wait3A_213 = arith.constant 0 : i32
          %dma_wait3A_214 = arith.constant 0 : i32
          %dma_wait3A_215 = arith.constant 1 : i32
          %dma_wait3A_216 = arith.constant 0 : i32
          %dma_wait3A_217 = arith.constant 0 : i32
          %dma_wait3A_218 = arith.constant 0 : i32
          %dma_wait3A_219 = tpu.memref_slice %arg8[%dma_wait3A_213, %dma_wait3A_217, %dma_wait3A_218] : memref<2x128x128xf32, #tpu.memory_space<vmem>> -> memref<1x128x128xf32, #tpu.memory_space<vmem>>
          %dma_wait3A_220 = tpu.memref_squeeze %dma_wait3A_219 : memref<1x128x128xf32, #tpu.memory_space<vmem>> -> memref<128x128xf32, #tpu.memory_space<vmem>>
          %dma_wait3A_221 = arith.constant 0 : i32
          %dma_wait3A_222 = tpu.memref_slice %arg7[%dma_wait3A_214, %dma_wait3A_215, %dma_wait3A_221] : memref<2x2x128xi32, #tpu.memory_space<vmem>> -> memref<1x1x128xi32, #tpu.memory_space<vmem>>
          %dma_wait3A_223 = tpu.memref_squeeze %dma_wait3A_222 : memref<1x1x128xi32, #tpu.memory_space<vmem>> -> memref<128xi32, #tpu.memory_space<vmem>>
          %dma_wait3A_224 = arith.constant 0 : i32
          %dma_wait3A_225 = arith.constant 0 : i32
          %dma_wait3A_226 = tpu.memref_slice %arg9[%dma_wait3A_224, %dma_wait3A_225] : memref<10240x128xf32, #tpu.memory_space<vmem_shared>> -> memref<10240x128xf32, #tpu.memory_space<vmem_shared>>
          %dma_wait3A_227 = tpu.memref_slice %arg12[%dma_wait3A_216] : memref<2x!tpu.dma_semaphore, #tpu.memory_space<semaphore_mem>> -> memref<1x!tpu.dma_semaphore, #tpu.memory_space<semaphore_mem>>
          %dma_wait3A_228 = tpu.memref_squeeze %dma_wait3A_227 : memref<1x!tpu.dma_semaphore, #tpu.memory_space<semaphore_mem>> -> memref<!tpu.dma_semaphore, #tpu.memory_space<semaphore_mem>>
          tpu.wait_indirect_dma semaphore(%dma_wait3A_228 : memref<!tpu.dma_semaphore, #tpu.memory_space<semaphore_mem>>) src(%dma_wait3A_220 : memref<128x128xf32, #tpu.memory_space<vmem>>) dst(%dma_wait3A_226 : memref<10240x128xf32, #tpu.memory_space<vmem_shared>>)
        } else {
        }
        %add3A_174 = arith.constant 1 : i32
        %add3A_175 = arith.addi %add3A_132, %add3A_174 : i32
        %lt3A_176 = arith.constant 80 : i32
        %lt3A_177 = arith.cmpi slt, %add3A_175, %lt3A_176 : i32
        %convert_element_type3A_178 = arith.extui %lt3A_177 : i1 to i32
        %cond3A_179 = arith.constant 0 : i32
        %cond3A_180 = arith.cmpi ne, %convert_element_type3A_178, %cond3A_179 : i32
        scf.if %cond3A_180 {
          %add3A_213 = arith.constant 1 : i32
          %add3A_214 = arith.addi %add3A_132, %add3A_213 : i32
          %mul3A_215 = arith.constant 16 : i32
          %mul3A_216 = arith.muli %add3A_214, %mul3A_215 : i32
          %add3A_217 = arith.addi %mul3A_216, %arg1 : i32
          %dma_start3A_218 = arith.constant 0 : i32
          %dma_start3A_219 = arith.constant 0 : i32
          %dma_start3A_220 = arith.constant 0 : i32
          %dma_start3A_221 = arith.constant 0 : i32
          %dma_start3A_222 = tpu.memref_slice %arg7[%dma_start3A_219, %dma_start3A_220, %dma_start3A_221] : memref<2x2x128xi32, #tpu.memory_space<vmem>> -> memref<1x2x128xi32, #tpu.memory_space<vmem>>
          %dma_start3A_223 = arith.constant 0 : i32
          %dma_start3A_224 = arith.constant 0 : i32
          %dma_start3A_225 = tpu.memref_slice %arg2[%add3A_217, %dma_start3A_223, %dma_start3A_224] : memref<1280x2x128xi32, #tpu.memory_space<hbm>> -> memref<1x2x128xi32, #tpu.memory_space<hbm>>
          %dma_start3A_226 = tpu.memref_slice %arg10[%dma_start3A_218] : memref<2x!tpu.dma_semaphore, #tpu.memory_space<semaphore_mem>> -> memref<1x!tpu.dma_semaphore, #tpu.memory_space<semaphore_mem>>
          %dma_start3A_227 = tpu.memref_squeeze %dma_start3A_226 : memref<1x!tpu.dma_semaphore, #tpu.memory_space<semaphore_mem>> -> memref<!tpu.dma_semaphore, #tpu.memory_space<semaphore_mem>>
          %dma_start3A_228 = arith.constant 0 : i32
          %dma_start3A_229 = arith.constant 0 : i32
          %dma_start3A_230 = arith.constant 0 : i32
          %dma_start3A_231 = tpu.memref_slice %arg7[%dma_start3A_228, %dma_start3A_229, %dma_start3A_230] : memref<2x2x128xi32, #tpu.memory_space<vmem>> -> memref<1x2x128xi32, #tpu.memory_space<vmem>>
          %dma_start3A_232 = arith.constant 0 : i32
          %dma_start3A_233 = arith.constant 0 : i32
          %dma_start3A_234 = tpu.memref_slice %arg2[%add3A_217, %dma_start3A_232, %dma_start3A_233] : memref<1280x2x128xi32, #tpu.memory_space<hbm>> -> memref<1x2x128xi32, #tpu.memory_space<hbm>>
          tpu.enqueue_dma source(%dma_start3A_234 : memref<1x2x128xi32, #tpu.memory_space<hbm>>) target(%dma_start3A_231 : memref<1x2x128xi32, #tpu.memory_space<vmem>>) target_semaphore(%dma_start3A_227 : memref<!tpu.dma_semaphore, #tpu.memory_space<semaphore_mem>>)
        } else {
        }
        %dma_wait3A_181 = arith.constant 1 : i32
        %dma_wait3A_182 = arith.constant 0 : i32
        %dma_wait3A_183 = arith.constant 1 : i32
        %dma_wait3A_184 = arith.constant 1 : i32
        %dma_wait3A_185 = arith.constant 0 : i32
        %dma_wait3A_186 = arith.constant 0 : i32
        %dma_wait3A_187 = tpu.memref_slice %arg8[%dma_wait3A_183, %dma_wait3A_185, %dma_wait3A_186] : memref<2x128x128xf32, #tpu.memory_space<vmem>> -> memref<1x128x128xf32, #tpu.memory_space<vmem>>
        %dma_wait3A_188 = tpu.memref_squeeze %dma_wait3A_187 : memref<1x128x128xf32, #tpu.memory_space<vmem>> -> memref<128x128xf32, #tpu.memory_space<vmem>>
        %dma_wait3A_189 = arith.constant 0 : i32
        %dma_wait3A_190 = tpu.memref_slice %arg7[%dma_wait3A_181, %dma_wait3A_182, %dma_wait3A_189] : memref<2x2x128xi32, #tpu.memory_space<vmem>> -> memref<1x1x128xi32, #tpu.memory_space<vmem>>
        %dma_wait3A_191 = tpu.memref_squeeze %dma_wait3A_190 : memref<1x1x128xi32, #tpu.memory_space<vmem>> -> memref<128xi32, #tpu.memory_space<vmem>>
        %dma_wait3A_192 = arith.constant 0 : i32
        %dma_wait3A_193 = arith.constant 0 : i32
        %dma_wait3A_194 = tpu.memref_slice %arg4[%dma_wait3A_192, %dma_wait3A_193] : memref<10240x128xf32, #tpu.memory_space<hbm>> -> memref<10240x128xf32, #tpu.memory_space<hbm>>
        %dma_wait3A_195 = tpu.memref_slice %arg11[%dma_wait3A_184] : memref<2x!tpu.dma_semaphore, #tpu.memory_space<semaphore_mem>> -> memref<1x!tpu.dma_semaphore, #tpu.memory_space<semaphore_mem>>
        %dma_wait3A_196 = tpu.memref_squeeze %dma_wait3A_195 : memref<1x!tpu.dma_semaphore, #tpu.memory_space<semaphore_mem>> -> memref<!tpu.dma_semaphore, #tpu.memory_space<semaphore_mem>>
        tpu.wait_indirect_dma semaphore(%dma_wait3A_196 : memref<!tpu.dma_semaphore, #tpu.memory_space<semaphore_mem>>) src(%dma_wait3A_194 : memref<10240x128xf32, #tpu.memory_space<hbm>>) dst(%dma_wait3A_188 : memref<128x128xf32, #tpu.memory_space<vmem>>)
        %dma_start3A_197 = arith.constant 1 : i32
        %dma_start3A_198 = arith.constant 1 : i32
        %dma_start3A_199 = arith.constant 1 : i32
        %dma_start3A_200 = arith.constant 1 : i32
        %dma_start3A_201 = arith.constant 0 : i32
        %dma_start3A_202 = arith.constant 0 : i32
        %dma_start3A_203 = tpu.memref_slice %arg8[%dma_start3A_197, %dma_start3A_201, %dma_start3A_202] : memref<2x128x128xf32, #tpu.memory_space<vmem>> -> memref<1x128x128xf32, #tpu.memory_space<vmem>>
        %dma_start3A_204 = tpu.memref_squeeze %dma_start3A_203 : memref<1x128x128xf32, #tpu.memory_space<vmem>> -> memref<128x128xf32, #tpu.memory_space<vmem>>
        %dma_start3A_205 = arith.constant 0 : i32
        %dma_start3A_206 = tpu.memref_slice %arg7[%dma_start3A_198, %dma_start3A_199, %dma_start3A_205] : memref<2x2x128xi32, #tpu.memory_space<vmem>> -> memref<1x1x128xi32, #tpu.memory_space<vmem>>
        %dma_start3A_207 = tpu.memref_squeeze %dma_start3A_206 : memref<1x1x128xi32, #tpu.memory_space<vmem>> -> memref<128xi32, #tpu.memory_space<vmem>>
        %dma_start3A_208 = arith.constant 0 : i32
        %dma_start3A_209 = arith.constant 0 : i32
        %dma_start3A_210 = tpu.memref_slice %arg9[%dma_start3A_208, %dma_start3A_209] : memref<10240x128xf32, #tpu.memory_space<vmem_shared>> -> memref<10240x128xf32, #tpu.memory_space<vmem_shared>>
        %dma_start3A_211 = tpu.memref_slice %arg12[%dma_start3A_200] : memref<2x!tpu.dma_semaphore, #tpu.memory_space<semaphore_mem>> -> memref<1x!tpu.dma_semaphore, #tpu.memory_space<semaphore_mem>>
        %dma_start3A_212 = tpu.memref_squeeze %dma_start3A_211 : memref<1x!tpu.dma_semaphore, #tpu.memory_space<semaphore_mem>> -> memref<!tpu.dma_semaphore, #tpu.memory_space<semaphore_mem>>
        tpu.enqueue_indirect_dma source(%dma_start3A_204 : memref<128x128xf32, #tpu.memory_space<vmem>>) target(%dma_start3A_210 : memref<10240x128xf32, #tpu.memory_space<vmem_shared>>) offsets(%dma_start3A_207 : memref<128xi32, #tpu.memory_space<vmem>>) semaphore(%dma_start3A_212 : memref<!tpu.dma_semaphore, #tpu.memory_space<semaphore_mem>>) {add = true}
      }
      %scan3A_29 = arith.constant 40 : i32
      %dma_wait3A = arith.constant 1 : i32
      %dma_wait3A_30 = arith.constant 1 : i32
      %dma_wait3A_31 = arith.constant 1 : i32
      %dma_wait3A_32 = arith.constant 1 : i32
      %dma_wait3A_33 = arith.constant 0 : i32
      %dma_wait3A_34 = arith.constant 0 : i32
      %dma_wait3A_35 = tpu.memref_slice %arg8[%dma_wait3A, %dma_wait3A_33, %dma_wait3A_34] : memref<2x128x128xf32, #tpu.memory_space<vmem>> -> memref<1x128x128xf32, #tpu.memory_space<vmem>>
      %dma_wait3A_36 = tpu.memref_squeeze %dma_wait3A_35 : memref<1x128x128xf32, #tpu.memory_space<vmem>> -> memref<128x128xf32, #tpu.memory_space<vmem>>
      %dma_wait3A_37 = arith.constant 0 : i32
      %dma_wait3A_38 = tpu.memref_slice %arg7[%dma_wait3A_30, %dma_wait3A_31, %dma_wait3A_37] : memref<2x2x128xi32, #tpu.memory_space<vmem>> -> memref<1x1x128xi32, #tpu.memory_space<vmem>>
      %dma_wait3A_39 = tpu.memref_squeeze %dma_wait3A_38 : memref<1x1x128xi32, #tpu.memory_space<vmem>> -> memref<128xi32, #tpu.memory_space<vmem>>
      %dma_wait3A_40 = arith.constant 0 : i32
      %dma_wait3A_41 = arith.constant 0 : i32
      %dma_wait3A_42 = tpu.memref_slice %arg9[%dma_wait3A_40, %dma_wait3A_41] : memref<10240x128xf32, #tpu.memory_space<vmem_shared>> -> memref<10240x128xf32, #tpu.memory_space<vmem_shared>>
      %dma_wait3A_43 = tpu.memref_slice %arg12[%dma_wait3A_32] : memref<2x!tpu.dma_semaphore, #tpu.memory_space<semaphore_mem>> -> memref<1x!tpu.dma_semaphore, #tpu.memory_space<semaphore_mem>>
      %dma_wait3A_44 = tpu.memref_squeeze %dma_wait3A_43 : memref<1x!tpu.dma_semaphore, #tpu.memory_space<semaphore_mem>> -> memref<!tpu.dma_semaphore, #tpu.memory_space<semaphore_mem>>
      tpu.wait_indirect_dma semaphore(%dma_wait3A_44 : memref<!tpu.dma_semaphore, #tpu.memory_space<semaphore_mem>>) src(%dma_wait3A_36 : memref<128x128xf32, #tpu.memory_space<vmem>>) dst(%dma_wait3A_42 : memref<10240x128xf32, #tpu.memory_space<vmem_shared>>)
      %barrier3A_45 = arith.constant 0 : index
      tpu.barrier barrier_id(%barrier3A_45)
      "tpu.region"() ({
        %run_scoped3A = tpu.sem_alloc : memref<!tpu.dma_semaphore, #tpu.memory_space<semaphore_mem>>
        %dma_start3A_46 = arith.constant 0 : i32
        %dma_start3A_47 = tpu.memref_slice %arg6[%mul3A_0, %dma_start3A_46] : memref<10240x128xf32, #tpu.memory_space<hbm>> -> memref<640x128xf32, #tpu.memory_space<hbm>>
        %dma_start3A_48 = arith.constant 0 : i32
        %dma_start3A_49 = tpu.memref_slice %arg9[%mul3A_0, %dma_start3A_48] : memref<10240x128xf32, #tpu.memory_space<vmem_shared>> -> memref<640x128xf32, #tpu.memory_space<vmem_shared>>
        tpu.enqueue_dma source(%dma_start3A_49 : memref<640x128xf32, #tpu.memory_space<vmem_shared>>) target(%dma_start3A_47 : memref<640x128xf32, #tpu.memory_space<hbm>>) target_semaphore(%run_scoped3A : memref<!tpu.dma_semaphore, #tpu.memory_space<semaphore_mem>>)
        %dma_wait3A_50 = arith.constant 0 : i32
        %dma_wait3A_51 = tpu.memref_slice %arg6[%mul3A_0, %dma_wait3A_50] : memref<10240x128xf32, #tpu.memory_space<hbm>> -> memref<640x128xf32, #tpu.memory_space<hbm>>
        %dma_wait3A_52 = arith.constant 0 : i32
        %dma_wait3A_53 = tpu.memref_slice %arg9[%mul3A_0, %dma_wait3A_52] : memref<10240x128xf32, #tpu.memory_space<vmem_shared>> -> memref<640x128xf32, #tpu.memory_space<vmem_shared>>
        tpu.wait_dma2 semaphore(%run_scoped3A : memref<!tpu.dma_semaphore, #tpu.memory_space<semaphore_mem>>) src(%dma_wait3A_53 : memref<640x128xf32, #tpu.memory_space<vmem_shared>>) dst(%dma_wait3A_51 : memref<640x128xf32, #tpu.memory_space<hbm>>)
        tpu.yield
      }) : () -> ()
    } else {
    }
    return
  }
}

module attributes {stable_mosaic.version = 14 : i64} {
  func.func @_combine_body(%arg0: i32, %arg1: memref<1000x128xf32, #tpu.memory_space<vmem>>, %arg2: memref<1000x128xf32, #tpu.memory_space<vmem>>, %arg3: memref<1000x1xf32, #tpu.memory_space<vmem>>, %arg4: memref<1000x256xf32, #tpu.memory_space<vmem>>) attributes {dimension_semantics = [#tpu.dimension_semantics<arbitrary>], iteration_bounds = array<i64: 10>, scalar_prefetch = 0 : i64, scratch_operands = 0 : i64, tpu.core_type = #tpu.core_type<tc>, window_params = [{transform_indices = @transform_0, window_bounds = array<i64: 1000, 128>}, {transform_indices = @transform_1, window_bounds = array<i64: 1000, 128>}, {transform_indices = @transform_2, window_bounds = array<i64: 1000, 1>}, {transform_indices = @transform_3, window_bounds = array<i64: 1000, 256>}]} {
    %get3A = arith.constant 0 : index
    %get3A_0 = arith.constant 0 : index
    %get3A_1 = vector.load %arg3[%get3A, %get3A_0] : memref<1000x1xf32, #tpu.memory_space<vmem>>, vector<1000x1xf32>
    %rsqrt3A = math.rsqrt %get3A_1 : vector<1000x1xf32>
    %get3A_2 = arith.constant 0 : index
    %get3A_3 = arith.constant 0 : index
    %get3A_4 = vector.load %arg1[%get3A_2, %get3A_3] : memref<1000x128xf32, #tpu.memory_space<vmem>>, vector<1000x128xf32>
    %mul3A = vector.broadcast %rsqrt3A : vector<1000x1xf32> to vector<1000x128xf32>
    %mul3A_5 = arith.mulf %get3A_4, %mul3A : vector<1000x128xf32>
    %swap3A = arith.constant 0 : index
    %swap3A_6 = arith.constant 0 : index
    %swap3A_7 = vector.load %arg4[%swap3A, %swap3A_6] : memref<1000x256xf32, #tpu.memory_space<vmem>>, vector<1000x128xf32>
    tpu.vector_store %arg4[%swap3A, %swap3A_6], %mul3A_5 {strides = array<i32>} : memref<1000x256xf32, #tpu.memory_space<vmem>>, vector<1000x128xf32>,
    %get3A_8 = arith.constant 0 : index
    %get3A_9 = arith.constant 0 : index
    %get3A_10 = vector.load %arg2[%get3A_8, %get3A_9] : memref<1000x128xf32, #tpu.memory_space<vmem>>, vector<1000x128xf32>
    %mul3A_11 = vector.broadcast %rsqrt3A : vector<1000x1xf32> to vector<1000x128xf32>
    %mul3A_12 = arith.mulf %get3A_10, %mul3A_11 : vector<1000x128xf32>
    %swap3A_13 = arith.constant 0 : index
    %swap3A_14 = arith.constant 128 : index
    %swap3A_15 = vector.load %arg4[%swap3A_13, %swap3A_14] : memref<1000x256xf32, #tpu.memory_space<vmem>>, vector<1000x128xf32>
    tpu.vector_store %arg4[%swap3A_13, %swap3A_14], %mul3A_12 {strides = array<i32>} : memref<1000x256xf32, #tpu.memory_space<vmem>>, vector<1000x128xf32>,
    return
  }
  func.func @transform_0(%arg0: i32) -> (i32, i32) {
    %c0_i32 = arith.constant 0 : i32
    %c0_i32_0 = arith.constant 0 : i32
    return %arg0, %c0_i32 : i32, i32
  }
  func.func @transform_1(%arg0: i32) -> (i32, i32) {
    %c0_i32 = arith.constant 0 : i32
    %c0_i32_0 = arith.constant 0 : i32
    return %arg0, %c0_i32 : i32, i32
  }
  func.func @transform_2(%arg0: i32) -> (i32, i32) {
    %c0_i32 = arith.constant 0 : i32
    %c0_i32_0 = arith.constant 0 : i32
    return %arg0, %c0_i32 : i32, i32
  }
  func.func @transform_3(%arg0: i32) -> (i32, i32) {
    %c0_i32 = arith.constant 0 : i32
    %c0_i32_0 = arith.constant 0 : i32
    return %arg0, %c0_i32 : i32, i32
  }
}

module attributes {stable_mosaic.version = 14 : i64} {
  func.func @_gemm_body(%arg0: i32, %arg1: memref<1024x256xf32, #tpu.memory_space<vmem>>, %arg2: memref<256x256xf32, #tpu.memory_space<vmem>>, %arg3: memref<1024x1xf32, #tpu.memory_space<vmem>>, %arg4: memref<1024x128xf32, #tpu.memory_space<vmem>>, %arg5: memref<1024x128xf32, #tpu.memory_space<vmem>>) attributes {dimension_semantics = [#tpu.dimension_semantics<arbitrary>], iteration_bounds = array<i64: 10>, scalar_prefetch = 0 : i64, scratch_operands = 0 : i64, tpu.core_type = #tpu.core_type<tc>, window_params = [{transform_indices = @transform_0, window_bounds = array<i64: 1024, 256>}, {pipeline_mode = #tpu.pipeline_mode<synchronous>, transform_indices = @transform_1, window_bounds = array<i64: 256, 256>}, {transform_indices = @transform_2, window_bounds = array<i64: 1024, 1>}, {transform_indices = @transform_3, window_bounds = array<i64: 1024, 128>}, {transform_indices = @transform_4, window_bounds = array<i64: 1024, 128>}]} {
    %get3A = arith.constant 0 : index
    %get3A_0 = arith.constant 0 : index
    %get3A_1 = vector.load %arg1[%get3A, %get3A_0] : memref<1024x256xf32, #tpu.memory_space<vmem>>, vector<1024x256xf32>
    %get3A_2 = arith.constant 0 : index
    %get3A_3 = arith.constant 0 : index
    %get3A_4 = vector.load %arg2[%get3A_2, %get3A_3] : memref<256x256xf32, #tpu.memory_space<vmem>>, vector<256x256xf32>
    %dot_general3A = arith.constant dense<0.000000e+00> : vector<1024x256xf32>
    %dot_general3A_5 = tpu.matmul %get3A_1, %get3A_4, %dot_general3A {dimension_numbers = #tpu.dot_dimension_numbers<[1], [1], [0], [0], [0, 0, 1, 0], [], []>, transpose_lhs_hint = false} : vector<1024x256xf32>, vector<256x256xf32>, vector<1024x256xf32> -> vector<1024x256xf32>
    %get3A_6 = arith.constant 0 : index
    %get3A_7 = arith.constant 0 : index
    %get3A_8 = vector.load %arg3[%get3A_6, %get3A_7] : memref<1024x1xf32, #tpu.memory_space<vmem>>, vector<1024x1xf32>
    %rsqrt3A = math.rsqrt %get3A_8 : vector<1024x1xf32>
    %mul3A = vector.broadcast %rsqrt3A : vector<1024x1xf32> to vector<1024x256xf32>
    %mul3A_9 = arith.mulf %dot_general3A_5, %mul3A : vector<1024x256xf32>
    %slice3A = vector.extract_strided_slice %mul3A_9 {offsets = [0, 0], sizes = [1024, 128], strides = [1, 1]} : vector<1024x256xf32> to vector<1024x128xf32>
    %swap3A = arith.constant 0 : index
    %swap3A_10 = arith.constant 0 : index
    %swap3A_11 = vector.load %arg4[%swap3A, %swap3A_10] : memref<1024x128xf32, #tpu.memory_space<vmem>>, vector<1024x128xf32>
    tpu.vector_store %arg4[%swap3A, %swap3A_10], %slice3A {strides = array<i32>} : memref<1024x128xf32, #tpu.memory_space<vmem>>, vector<1024x128xf32>,
    %slice3A_12 = vector.extract_strided_slice %mul3A_9 {offsets = [0, 128], sizes = [1024, 128], strides = [1, 1]} : vector<1024x256xf32> to vector<1024x128xf32>
    %swap3A_13 = arith.constant 0 : index
    %swap3A_14 = arith.constant 0 : index
    %swap3A_15 = vector.load %arg5[%swap3A_13, %swap3A_14] : memref<1024x128xf32, #tpu.memory_space<vmem>>, vector<1024x128xf32>
    tpu.vector_store %arg5[%swap3A_13, %swap3A_14], %slice3A_12 {strides = array<i32>} : memref<1024x128xf32, #tpu.memory_space<vmem>>, vector<1024x128xf32>,
    return
  }
  func.func @transform_0(%arg0: i32) -> (i32, i32) {
    %c0_i32 = arith.constant 0 : i32
    %c0_i32_0 = arith.constant 0 : i32
    return %arg0, %c0_i32 : i32, i32
  }
  func.func @transform_1(%arg0: i32) -> (i32, i32) {
    %c0_i32 = arith.constant 0 : i32
    %c0_i32_0 = arith.constant 0 : i32
    %c0_i32_1 = arith.constant 0 : i32
    return %c0_i32, %c0_i32_0 : i32, i32
  }
  func.func @transform_2(%arg0: i32) -> (i32, i32) {
    %c0_i32 = arith.constant 0 : i32
    %c0_i32_0 = arith.constant 0 : i32
    return %arg0, %c0_i32 : i32, i32
  }
  func.func @transform_3(%arg0: i32) -> (i32, i32) {
    %c0_i32 = arith.constant 0 : i32
    %c0_i32_0 = arith.constant 0 : i32
    return %arg0, %c0_i32 : i32, i32
  }
  func.func @transform_4(%arg0: i32) -> (i32, i32) {
    %c0_i32 = arith.constant 0 : i32
    %c0_i32_0 = arith.constant 0 : i32
    return %arg0, %c0_i32 : i32, i32
  }
}

</mosaic_0001>

<sc_bundles>
// kernel: kernel.6.cloned.1.call-start
scs
__scs_entry_jumppad:
0x0: {  	(pc) =	sbr.rel $0x88, $3  }
0x1: {  	(tag) =	ssettag $0x0;
	lr =	simm.s32 $0x1  }
0x2: {  	[smem:$0x3F9E] =	sst lr;
	_ =	strace $0xD0000000  }
0x3: {  	_ = 	snop  }
0x4: {  	_ = 	snop  }
0x5: {  	_ = 	snop  }
0x6: {  	_ = 	snop  }
0x7: {  	_ = 	snop  }
__scs_overlays_trampoline_lowered:
0x8: {  	[smem:$0x3FAD] =	sst s0  }
0x9: {  	[smem:$0x3FAE] =	sst s1  }
0xa: {  	[smem:$0x3FAF] =	sst s2  }
0xb: {  	[smem:$0x3FB0] =	sst s3  }
0xc: {  	[smem:$0x3FB1] =	sst s4  }
0xd: {  	[smem:$0x3FB2] =	sst s5  }
0xe: {  	[smem:$0x3FB3] =	sst s6  }
0xf: {  	[smem:$0x3FB4] =	sst s7  }
0x10: {  	[smem:$0x3FB5] =	sst s8  }
0x11: {  	[smem:$0x3FB6] =	sst s9;
	s0 =	simm.s32 @!p0 $0x0  }
0x12: {  	s1 =	sld [smem:$0x3F9C];
	s0 =	simm.s32 @p0 $0x1  }
0x13: {  	[smem:$0x3FB7] =	sst s0;
	s0 =	simm.s32 @!p1 $0x0  }
0x14: {  	s2 =	sld [smem:$0x3F9B];
	s0 =	simm.s32 @p1 $0x1  }
0x15: {  	[smem:$0x3FB8] =	sst s0;
	s0 =	simm.s32 @!p2 $0x0  }
0x16: {  	s3 =	sld [smem:$0x3FDB];
	s0 =	simm.s32 @p2 $0x1  }
0x17: {  	s4 =	simm.s32 $0x1BF5;
	[smem:$0x3FBA] =	sst s0  }
0x18: {  	s0 =	sld [smem:$0x3F9D];
	_ =	swait.ge [sflag:s4], $0x0  }
0x19: {  	s7 =	sld [smem:$0x3F9E]  }
0x1a: {  	s8 =	sadd.s32 $0xFFFFE003, lr  }
0x1b: {  	s9 =	sadd.s32 $0xFFFFFEF7, lr;
	s5 =	simm.s32 $0xFFFFFFFF;
	p2 =	slt.u32 s8, $0xFFFFF086  }
0x1c: {  	p1 =	slt.u32 s9, $0xF7A;
	s5 =	simm.s32 @!p2 $0x0  }
0x1d: {  	s5 =	simm.s32 @p1 $0x1;
	p0 =	seq.s32 s7, s2  }
0x1e: {  	s7 =	smul.u32 @!p0 $0xF7A, s2;
	p2 =	seq.s32 @!p0 s5, $0x0  }
0x1f: {  	s9 =	smul.u32 $0xF7A, s1;
	s8 =	simm.s32 @!p0 $0x1BF5;
	p2 =	por !p2, p0  }
0x20: {  	[sflag:s8] =	ssyncset.s32 @!p0 $0xFFFFF086;
	s6 =	sadd.s32 @!p0 s3, s7;
	s7 =	simm.s32 @!p0 $0x108  }
0x21: {  	s3 =	sadd.s32 s3, s9;
	s6 =	sadd.s32 @!p0 $0x88, s6;
	s7 =	simm.s32 @p2 $0x1082  }
0x22: {  	[simem:s7], [sflag:s8] =	dma.local @!p0 [hbm:s6], $0xF7A  }
0x23: {  	s9 =	sor.u32 $0xD0000000, s2;
	s6 =	simm.s32 $0x108;
	_ =	swait.ge @!p0 [sflag:s8], $0x0  }
0x24: {  	s3 =	sadd.s32 $0x88, s3;
	s6 =	simm.s32 @!p1 $0x1082;
	[sflag:s4] =	ssyncset.s32 $0xFFFFF086  }
0x25: {  	[simem:s6], [sflag:s4] =	dma.local [hbm:s3], $0xF7A  }
0x26: {  	[smem:$0x3F9E] =	sst s1;
	(tag) =	ssettag s2;
	_ =	strace s9  }
0x27: {  	s1 =	sld [smem:$0x3FAE]  }
0x28: {  	s2 =	sld [smem:$0x3FAF]  }
0x29: {  	s4 =	sld [smem:$0x3FB1]  }
0x2a: {  	p0 =	seq.s32 s5, $0x0;
	s5 =	sld [smem:$0x3FB2]  }
0x2b: {  	s6 =	sld [smem:$0x3FB3]  }
0x2c: {  	s7 =	sld [smem:$0x3FB4]  }
0x2d: {  	s3 =	simm.s32 $0x108;
	s8 =	sld [smem:$0x3FB5]  }
0x2e: {  	s3 =	simm.s32 @!p0 $0x1082;
	s9 =	sld [smem:$0x3FB6]  }
0x2f: {  	lr =	sadd.s32 s0, s3;
	s0 =	sld [smem:$0x3FAD]  }
0x30: {  	s3 =	sld [smem:$0x3FB0]  }
0x31: {  	[smem:$0x3FB9] =	sst s10  }
0x32: {  	s10 =	sld [smem:$0x3FB7];
	_ =	sdelay $0x3  }
0x33: {  	p0 =	seq.s32 s10, $0x1;
	s10 =	sld [smem:$0x3FB9];
	_ =	sdelay $0x3  }
0x34: {  	[smem:$0x3FB9] =	sst s10  }
0x35: {  	s10 =	sld [smem:$0x3FB8];
	_ =	sdelay $0x3  }
0x36: {  	p1 =	seq.s32 s10, $0x1;
	s10 =	sld [smem:$0x3FB9];
	_ =	sdelay $0x3  }
0x37: {  	[smem:$0x3FB9] =	sst s10  }
0x38: {  	s10 =	sld [smem:$0x3FBA]  }
0x39: {  	_ = 	snop;
	(pc) =	sbr.ind lr, $3  }
0x3a: {  	_ = 	snop  }
0x3b: {  	_ = 	snop  }
0x3c: {  	p2 =	seq.s32 s10, $0x1;
	s10 =	sld [smem:$0x3FB9]  }
0x3d: {  	_ =	shalt  }
0x3e: {  	_ =	shalt  }
0x3f: {  	_ =	shalt  }
0x40: {  	_ =	shalt  }
0x41: {  	_ =	shalt  }
0x42: {  	_ =	shalt  }
0x43: {  	_ =	shalt  }
0x44: {  	_ =	shalt  }
0x45: {  	_ =	shalt  }
0x46: {  	_ =	shalt  }
0x47: {  	_ =	shalt  }
0x48: {  	_ =	shalt  }
0x49: {  	_ =	shalt  }
0x4a: {  	_ =	shalt  }
0x4b: {  	_ =	shalt  }
0x4c: {  	_ =	shalt  }
0x4d: {  	_ =	shalt  }
0x4e: {  	_ =	shalt  }
0x4f: {  	_ =	shalt  }
0x50: {  	_ =	shalt  }
0x51: {  	_ =	shalt  }
0x52: {  	_ =	shalt  }
0x53: {  	_ =	shalt  }
0x54: {  	_ =	shalt  }
0x55: {  	_ =	shalt  }
0x56: {  	_ =	shalt  }
0x57: {  	_ =	shalt  }
0x58: {  	_ =	shalt  }
0x59: {  	_ =	shalt  }
0x5a: {  	_ =	shalt  }
0x5b: {  	_ =	shalt  }
0x5c: {  	_ =	shalt  }
0x5d: {  	_ =	shalt  }
0x5e: {  	_ =	shalt  }
0x5f: {  	_ =	shalt  }
0x60: {  	_ =	shalt  }
0x61: {  	_ =	shalt  }
0x62: {  	_ =	shalt  }
0x63: {  	_ =	shalt  }
0x64: {  	_ =	shalt  }
0x65: {  	_ =	shalt  }
0x66: {  	_ =	shalt  }
0x67: {  	_ =	shalt  }
0x68: {  	_ =	shalt  }
0x69: {  	_ =	shalt  }
0x6a: {  	_ =	shalt  }
0x6b: {  	_ =	shalt  }
0x6c: {  	_ =	shalt  }
0x6d: {  	_ =	shalt  }
0x6e: {  	_ =	shalt  }
0x6f: {  	_ =	shalt  }
0x70: {  	_ =	shalt  }
0x71: {  	_ =	shalt  }
0x72: {  	_ =	shalt  }
0x73: {  	_ =	shalt  }
0x74: {  	_ =	shalt  }
0x75: {  	_ =	shalt  }
0x76: {  	_ =	shalt  }
0x77: {  	_ =	shalt  }
0x78: {  	_ =	shalt  }
0x79: {  	_ =	shalt  }
0x7a: {  	_ =	shalt  }
0x7b: {  	_ =	shalt  }
0x7c: {  	_ =	shalt  }
0x7d: {  	_ =	shalt  }
0x7e: {  	_ =	shalt  }
0x7f: {  	_ =	shalt  }
0x80: {  	_ =	shalt  }
0x81: {  	_ =	shalt  }
0x82: {  	_ =	shalt  }
0x83: {  	_ =	shalt  }
0x84: {  	_ =	shalt  }
0x85: {  	_ =	shalt  }
0x86: {  	_ =	shalt  }
0x87: {  	_ =	shalt  }
.Lfunc_end0:
.L_simem_size_0:
called_computation_lowered:
.L_overlay_start_0:
0x88: {  	s2 =	sld [smem:$0x3FD9]  }
0x89: {  	s3 =	sld [smem:$0x3FFE];
	_ =	sdelay $0x1  }
0x8a: {  	s1 =	srdreg.scid  }
0x8b: {  	s0 =	sand.u32 $0x1, s1  }
0x8c: {  	s17 =	sshll.u32 s0, $0xA;
	s2 =	sadd.s32 s3, s2  }
0x8d: {  	s2 =	sadd.s32 s2, s17  }
0x8e: {  	[smem:$0x3FC5] =	sst s2  }
0x8f: {  	_ = 	snop  }
0x90: {  	s2 =	sld [smem:$0x3FD0];
	(tm) =	ssettm $0x1  }
0x91: {  	s18 =	sld [smem:$0x3FFB];
	_ =	sdelay $0x3  }
0x92: {  	_ =	strace s18  }
0x93: {  	s3 =	sld [smem:$0x3FFC];
	_ =	sdelay $0x3  }
0x94: {  	_ =	strace s3  }
0x95: {  	s3 =	sld [smem:$0x3FFD];
	_ =	sdelay $0x3  }
0x96: {  	_ =	strace s3  }
0x97: {  	_ =	strace $0x8FFFFFFF  }
0x98: {  	s19 =	sld [smem:$0x3FDB];
	_ =	sdelay $0x1  }
0x99: {  	s4 =	simm.s32 $_scs_section_size  }
0x9a: {  	s5 =	simm.s32 $_size__tile_overlayer_lowered;
	s6 =	simm.s32 $_tile_overlayer_lowered  }
0x9b: {  	s22 =	simm.s32 $0x1BFF;
	s21 =	sshll.u32 s6, $0x1;
	s3 =	sadd.s32 s4, s19  }
0x9c: {  	s7 =	simm.s32 $0x0;
	s20 =	sshll.u32 s5, $0x1;
	s5 =	sadd.s32 s21, s3  }
0x9d: {  	[timem:s7], [sflag:s22] =	dma.local [hbm:s5], s20  }
0x9e: {  	_ =	swait.ge [sflag:s22], s20  }
0x9f: {  	s4 =	ssub.s32 $0x0, s20;
	[sflag:s22] =	ssyncset.done $0x0  }
0xa0: {  	[sflag:s22] =	ssyncadd.s32 s4;
	_ =	sdelay $0x1  }
0xa1: {  	s23 =	simm.s32 $0x1B8B  }
0xa2: {  	_ =	swait.ge [sflag:s23], $0x1  }
0xa3: {  	[sflag:s23] =	ssyncset.done $0x0  }
0xa4: {  	s25 =	simm.s32 $0x1B8E;
	s24 =	sld [smem:$0x3FFE];
	[sflag:s23] =	ssyncadd.s32 $0xFFFFFFFF  }
0xa5: {  	s26 =	simm.s32 $execute0_lowered;
	[smem:$0x3FD2] =	sst s25  }
0xa6: {  	s5 =	sshll.u32 s26, $0x1;
	_ =	strace $0x80000046;
	[dreg:$0x1] =	wrdreg $0xFFFFFFFF  }
0xa7: {  	s28 =	simm.s32 $_size_execute0_lowered;
	s3 =	sadd.s32 s3, s5;
	[dreg:$0x0] =	wrdreg $0x0  }
0xa8: {  	s5 =	sshll.u32 s28, $0x1;
	[dreg:$0x2] =	wrdreg s3  }
0xa9: {  	[dreg:$0x3] =	wrdreg s5  }
0xaa: {  	[dreg:$0x4] =	wrdreg $0xC0  }
0xab: {  	_ =	task [dreg:s7], $0x5FFFF  }
0xac: {  	[dreg:$0x1] =	wrdreg $0xFFFFFFFF  }
0xad: {  	[dreg:$0x0] =	wrdreg $0x60  }
0xae: {  	[dreg:$0x2] =	wrdreg s2  }
0xaf: {  	[dreg:$0x3] =	wrdreg s24  }
0xb0: {  	[dreg:$0x4] =	wrdreg $0x28800  }
0xb1: {  	[dreg:$0x5] =	wrdreg $0x9  }
0xb2: {  	_ =	task.clear_ibuf [dreg:s7], $0x6FFFF;
	_ =	strace $0x90000046  }
0xb3: {  	s29 =	simm.s32 $0x9;
	_ =	strace $0x80000048  }
0xb4: {  	_ =	swait.ge [sflag:s29], $0x1  }
0xb5: {  	[sflag:s29] =	ssyncadd.s32 $0xFFFFFFFF  }
0xb6: {  	_ =	strace $0x90000048  }
0xb7: {  	_ =	sfence  }
0xb8: {  	s30 =	sld [smem:$0x0];
	_ =	sdelay $0x2  }
0xb9: {  	s31 =	sshll.u32 s1, $0xD;
	s1 =	sshrl.u32 s1, $0x2  }
0xba: {  	s3 =	sand.u32 $0x4000, s31;
	s1 =	sadd.s32 s1, s30  }
0xbb: {  	s0 =	sor.u32 s3, s0;
	s1 =	sshll.u32 s1, $0x11  }
0xbc: {  	s0 =	sor.u32 s1, s0  }
0xbd: {  	s0 =	sadd.s32 $0x8F2B, s0  }
0xbe: {  	[sflag:s0] =	ssyncadd.remote.s32 $0x1  }
0xbf: {  	_ =	sfence.sel $0xFFFF  }
0xc0: {  	[dreg:$0x0] =	wrdreg $0xFFFFFFFF;
	(pc) =	sbr.abs _section_cstart, $3  }
0xc1: {  	[dreg:$0x1] =	wrdreg $0xFFFFFFFF  }
0xc2: {  	_ =	task.clear_ibuf [dreg:s7], $0x2FFFF;
	_ =	strace $0x9FFFFFFF  }
0xc3: {  	(tm) =	ssettm $0x7FFFFFFF  }
tec
execute0_lowered:
.L_overlay_start_1:
0x0: {  	(tag) =	ssettag $0x1  }
0x1: {  	s1 =	srdreg.scid  }
0x2: {  	s1 =	sand.u32 $0x1, s1  }
0x3: {  	p0 =	seq.s32 s1, $0x1  }
.Ltmp0:
0x4: {  	s3 =	rddreg [dreg:$0x0];
	(pc) =	sbr.rel @p0 .LBB2_4-.Ltmp0, $4  }
0x5: {  	s7 =	rddreg [dreg:$0x1]  }
0x6: {  	s2 =	rddreg [dreg:$0x2];
	s4 =	simm.s32 $0x0  }
0x7: {  	[smem:$0x7FF] =	sst s4  }
0x8: {  	s0 =	rddreg [dreg:$0x3];
	_ =	strace $0x80000047;
	s1 =	stileid.u32  }
0x9: {  	v0 =	vimm.f32 $1.000000000e+00  }
0xa: {  	[tilespmem:$0x0] =	vst v0  }
0xb: {  	[tilespmem:$0x10] =	vst v0  }
0xc: {  	[tilespmem:$0x20] =	vst v0  }
0xd: {  	[tilespmem:$0x30] =	vst v0  }
0xe: {  	[tilespmem:$0x40] =	vst v0  }
0xf: {  	s5 =	smul.u32 $0x500, s1;
	[tilespmem:$0x50] =	vst v0  }
0x10: {  	[tilespmem:$0x60] =	vst v0  }
0x11: {  	s6 =	simm.s32 $0x2;
	[tilespmem:$0x70] =	vst v0;
	s3 =	sadd.s32 s3, s5;
	s5 =	simm.s32 $0x80  }
0x12: {  	[tilespmem:s5], [sflag:$0x2] =	stream.linear.gather [hbm4b:s3+s4], $0x2800, $0x38;
	[tilespmem:$0x2B00] =	vst v63  }
0x13: {  	s8 =	smul.u32 $0x280, s1;
	_ =	swait.ge [sflag:s6], $0x2800  }
0x14: {  	[sflag:s6] =	ssyncset.done $0x0  }
0x15: {  	s3 =	sadd.s32 s8, s2;
	[sflag:s6] =	ssyncadd.s32 $0xFFFFD800  }
0x16: {  	[spmem:s3] =	stream.linear.scatter [tilespmem:s4], [sflag:$0x2], $0x80, $0x38;
	[tilespmem:$0x2B00] =	vst v63  }
0x17: {  	_ =	swait.ge [sflag:s6], $0x80  }
0x18: {  	[sflag:s6] =	ssyncset.done $0x0  }
0x19: {  	s9 =	sadd.s32 $0x80, s3;
	[sflag:s6] =	ssyncadd.s32 $0xFFFFFF80  }
0x1a: {  	[spmem:s9] =	stream.linear.scatter [tilespmem:s4], [sflag:$0x2], $0x80, $0x38;
	[tilespmem:$0x2B00] =	vst v63  }
0x1b: {  	_ =	swait.ge [sflag:s6], $0x80  }
0x1c: {  	[sflag:s6] =	ssyncset.done $0x0  }
0x1d: {  	s20 =	sadd.s32 $0x100, s3;
	[sflag:s6] =	ssyncadd.s32 $0xFFFFFF80  }
0x1e: {  	[spmem:s20] =	stream.linear.scatter [tilespmem:s4], [sflag:$0x2], $0x80, $0x38;
	[tilespmem:$0x2B00] =	vst v63  }
0x1f: {  	_ =	swait.ge [sflag:s6], $0x80  }
0x20: {  	[sflag:s6] =	ssyncset.done $0x0  }
0x21: {  	s21 =	sadd.s32 $0x180, s3;
	[sflag:s6] =	ssyncadd.s32 $0xFFFFFF80  }
0x22: {  	[spmem:s21] =	stream.linear.scatter [tilespmem:s4], [sflag:$0x2], $0x80, $0x38;
	[tilespmem:$0x2B00] =	vst v63  }
0x23: {  	_ =	swait.ge [sflag:s6], $0x80  }
0x24: {  	[sflag:s6] =	ssyncset.done $0x0  }
0x25: {  	s22 =	sadd.s32 $0x200, s3;
	[sflag:s6] =	ssyncadd.s32 $0xFFFFFF80  }
0x26: {  	[spmem:s22] =	stream.linear.scatter [tilespmem:s4], [sflag:$0x2], $0x80, $0x38;
	[tilespmem:$0x2B00] =	vst v63  }
0x27: {  	_ =	swait.ge [sflag:s6], $0x80  }
0x28: {  	[sflag:s6] =	ssyncset.done $0x0  }
0x29: {  	[sflag:s6] =	ssyncadd.s32 $0xFFFFFF80  }
0x2a: {  	s23 =	simm.s32 $0x80;
	[bflag:$0x0] =	sbarrier.arrive $0xFFFF  }
0x2b: {  	[spmem:s2] =	stream.indirect.scatter.add.f32 [tilespmem:s4], [sflag:$0x1], $0x1, s23, s5, $0xb8;
	[tilespmem:$0x2B00] =	vst v63  }
0x2c: {  	s24 =	simm.s32 $0x100  }
0x2d: {  	[spmem:s2] =	stream.indirect.scatter.add.f32 [tilespmem:s4], [sflag:$0x1], $0x1, s24, s5, $0xb8;
	[tilespmem:$0x2B00] =	vst v63  }
0x2e: {  	s25 =	simm.s32 $0x180  }
0x2f: {  	[spmem:s2] =	stream.indirect.scatter.add.f32 [tilespmem:s4], [sflag:$0x1], $0x1, s25, s5, $0xb8;
	[tilespmem:$0x2B00] =	vst v63  }
0x30: {  	s26 =	simm.s32 $0x200  }
0x31: {  	[spmem:s2] =	stream.indirect.scatter.add.f32 [tilespmem:s4], [sflag:$0x1], $0x1, s26, s5, $0xb8;
	[tilespmem:$0x2B00] =	vst v63  }
0x32: {  	s28 =	simm.s32 $0x280  }
0x33: {  	[spmem:s2] =	stream.indirect.scatter.add.f32 [tilespmem:s4], [sflag:$0x1], $0x1, s28, s5, $0xb8;
	[tilespmem:$0x2B00] =	vst v63  }
0x34: {  	s29 =	simm.s32 $0x300  }
0x35: {  	[spmem:s2] =	stream.indirect.scatter.add.f32 [tilespmem:s4], [sflag:$0x1], $0x1, s29, s5, $0xb8;
	[tilespmem:$0x2B00] =	vst v63  }
0x36: {  	s30 =	simm.s32 $0x380  }
0x37: {  	[spmem:s2] =	stream.indirect.scatter.add.f32 [tilespmem:s4], [sflag:$0x1], $0x1, s30, s5, $0xb8;
	[tilespmem:$0x2B00] =	vst v63  }
0x38: {  	s31 =	simm.s32 $0x400;
	s6 =	simm.s32 $0x1  }
0x39: {  	[spmem:s2] =	stream.indirect.scatter.add.f32 [tilespmem:s4], [sflag:$0x1], $0x1, s31, s5, $0xb8;
	[tilespmem:$0x2B00] =	vst v63  }
0x3a: {  	_ =	swait.ge [sflag:s6], $0x80  }
0x3b: {  	[sflag:s6] =	ssyncset.done $0x0  }
0x3c: {  	[sflag:s6] =	ssyncadd.s32 $0xFFFFFF80  }
0x3d: {  	_ =	swait.ge [sflag:s6], $0x80  }
0x3e: {  	[sflag:s6] =	ssyncset.done $0x0  }
0x3f: {  	[sflag:s6] =	ssyncadd.s32 $0xFFFFFF80  }
0x40: {  	_ =	swait.ge [sflag:s6], $0x80  }
0x41: {  	[sflag:s6] =	ssyncset.done $0x0  }
0x42: {  	[sflag:s6] =	ssyncadd.s32 $0xFFFFFF80  }
0x43: {  	_ =	swait.ge [sflag:s6], $0x80  }
0x44: {  	[sflag:s6] =	ssyncset.done $0x0  }
0x45: {  	[sflag:s6] =	ssyncadd.s32 $0xFFFFFF80  }
0x46: {  	_ =	swait.ge [sflag:s6], $0x80  }
0x47: {  	[sflag:s6] =	ssyncset.done $0x0  }
0x48: {  	[sflag:s6] =	ssyncadd.s32 $0xFFFFFF80  }
0x49: {  	_ =	swait.ge [sflag:s6], $0x80  }
0x4a: {  	[sflag:s6] =	ssyncset.done $0x0  }
0x4b: {  	[sflag:s6] =	ssyncadd.s32 $0xFFFFFF80  }
0x4c: {  	_ =	swait.ge [sflag:s6], $0x80  }
0x4d: {  	[sflag:s6] =	ssyncset.done $0x0  }
0x4e: {  	s8 =	sshrl.u32 s8, $0x3;
	[sflag:s6] =	ssyncadd.s32 $0xFFFFFF80  }
0x4f: {  	s11 =	simm.s32 $0x2000;
	s7 =	sadd.s32 s8, s7;
	_ =	swait.ge [sflag:s6], $0x80  }
0x50: {  	s10 =	simm.s32 $0x400;
	s7 =	sadd.s32 $0x1200, s7;
	[sflag:s6] =	ssyncset.done $0x0  }
.LBB2_2:
0x51: {  	s12 =	sadd.s32 $0x80, s10  }
0x52: {  	[sflag:s6] =	ssyncadd.s32 $0xFFFFFF80;
	s9 =	smov.u32 s11;
	s8 =	sadd.s32 $0x1000, s11  }
0x53: {  	[spmem:s2] =	stream.indirect.scatter.add.f32 [tilespmem:s4], [sflag:$0x1], $0x1, s12, s5, $0xb8;
	[tilespmem:$0x2B00] =	vst v63  }
0x54: {  	p0 =	sne.s32 s11, $0x9000;
	s11 =	sadd.s32 $0x100, s10  }
0x55: {  	[spmem:s2] =	stream.indirect.scatter.add.f32 [tilespmem:s4], [sflag:$0x1], $0x1, s11, s5, $0xb8;
	[tilespmem:$0x2B00] =	vst v63  }
0x56: {  	s11 =	sadd.s32 $0x180, s10  }
0x57: {  	[spmem:s2] =	stream.indirect.scatter.add.f32 [tilespmem:s4], [sflag:$0x1], $0x1, s11, s5, $0xb8;
	[tilespmem:$0x2B00] =	vst v63  }
0x58: {  	s11 =	sadd.s32 $0x200, s10  }
0x59: {  	[spmem:s2] =	stream.indirect.scatter.add.f32 [tilespmem:s4], [sflag:$0x1], $0x1, s11, s5, $0xb8;
	[tilespmem:$0x2B00] =	vst v63  }
0x5a: {  	s11 =	sadd.s32 $0x280, s10  }
0x5b: {  	[spmem:s2] =	stream.indirect.scatter.add.f32 [tilespmem:s4], [sflag:$0x1], $0x1, s11, s5, $0xb8;
	[tilespmem:$0x2B00] =	vst v63  }
0x5c: {  	s11 =	sadd.s32 $0x300, s10  }
0x5d: {  	[spmem:s2] =	stream.indirect.scatter.add.f32 [tilespmem:s4], [sflag:$0x1], $0x1, s11, s5, $0xb8;
	[tilespmem:$0x2B00] =	vst v63  }
0x5e: {  	s11 =	sadd.s32 $0x380, s10  }
0x5f: {  	[spmem:s2] =	stream.indirect.scatter.add.f32 [tilespmem:s4], [sflag:$0x1], $0x1, s11, s5, $0xb8;
	[tilespmem:$0x2B00] =	vst v63  }
0x60: {  	s10 =	sadd.s32 $0x400, s10  }
0x61: {  	[spmem:s2] =	stream.indirect.scatter.add.f32 [tilespmem:s4], [sflag:$0x1], $0x1, s10, s5, $0xb8;
	[tilespmem:$0x2B00] =	vst v63  }
0x62: {  	_ =	swait.ge [sflag:s6], $0x80  }
0x63: {  	[sflag:s6] =	ssyncset.done $0x0  }
0x64: {  	[sflag:s6] =	ssyncadd.s32 $0xFFFFFF80  }
0x65: {  	_ =	swait.ge [sflag:s6], $0x80  }
0x66: {  	[sflag:s6] =	ssyncset.done $0x0  }
0x67: {  	[sflag:s6] =	ssyncadd.s32 $0xFFFFFF80  }
0x68: {  	_ =	swait.ge [sflag:s6], $0x80  }
0x69: {  	[sflag:s6] =	ssyncset.done $0x0  }
0x6a: {  	[sflag:s6] =	ssyncadd.s32 $0xFFFFFF80  }
0x6b: {  	_ =	swait.ge [sflag:s6], $0x80  }
0x6c: {  	[sflag:s6] =	ssyncset.done $0x0  }
0x6d: {  	[sflag:s6] =	ssyncadd.s32 $0xFFFFFF80  }
0x6e: {  	_ =	swait.ge [sflag:s6], $0x80  }
0x6f: {  	[sflag:s6] =	ssyncset.done $0x0  }
0x70: {  	[sflag:s6] =	ssyncadd.s32 $0xFFFFFF80  }
0x71: {  	_ =	swait.ge [sflag:s6], $0x80  }
0x72: {  	[sflag:s6] =	ssyncset.done $0x0  }
0x73: {  	[sflag:s6] =	ssyncadd.s32 $0xFFFFFF80  }
.Ltmp1:
0x74: {  	_ =	swait.ge [sflag:s6], $0x80;
	(pc) =	sbr.rel @p0 .LBB2_2-.Ltmp1, $4  }
0x75: {  	[sflag:s6] =	ssyncset.done $0x0  }
0x76: {  	[sflag:s6] =	ssyncadd.s32 $0xFFFFFF80  }
0x77: {  	_ =	swait.ge [sflag:s6], $0x80  }
0x78: {  	s11 =	smov.u32 s8;
	s10 =	sshra.s32 s9, $0x2;
	[sflag:s6] =	ssyncset.done $0x0  }
0x79: {  	s8 =	sadd.s32 $0x80, s10;
	[sflag:s6] =	ssyncadd.s32 $0xFFFFFF80  }
0x7a: {  	[spmem:s2] =	stream.indirect.scatter.add.f32 [tilespmem:s4], [sflag:$0x1], $0x1, s8, s5, $0xb8;
	[tilespmem:$0x2B00] =	vst v63  }
0x7b: {  	s22 =	sadd.s32 $0x100, s10  }
0x7c: {  	[spmem:s2] =	stream.indirect.scatter.add.f32 [tilespmem:s4], [sflag:$0x1], $0x1, s22, s5, $0xb8;
	[tilespmem:$0x2B00] =	vst v63  }
0x7d: {  	s23 =	sadd.s32 $0x180, s10  }
0x7e: {  	[spmem:s2] =	stream.indirect.scatter.add.f32 [tilespmem:s4], [sflag:$0x1], $0x1, s23, s5, $0xb8;
	[tilespmem:$0x2B00] =	vst v63  }
0x7f: {  	s24 =	sadd.s32 $0x200, s10  }
0x80: {  	[spmem:s2] =	stream.indirect.scatter.add.f32 [tilespmem:s4], [sflag:$0x1], $0x1, s24, s5, $0xb8;
	[tilespmem:$0x2B00] =	vst v63  }
0x81: {  	s25 =	sadd.s32 $0x280, s10  }
0x82: {  	[spmem:s2] =	stream.indirect.scatter.add.f32 [tilespmem:s4], [sflag:$0x1], $0x1, s25, s5, $0xb8;
	[tilespmem:$0x2B00] =	vst v63  }
0x83: {  	s26 =	sadd.s32 $0x300, s10  }
0x84: {  	[spmem:s2] =	stream.indirect.scatter.add.f32 [tilespmem:s4], [sflag:$0x1], $0x1, s26, s5, $0xb8;
	[tilespmem:$0x2B00] =	vst v63  }
0x85: {  	s28 =	sadd.s32 $0x380, s10  }
0x86: {  	[spmem:s2] =	stream.indirect.scatter.add.f32 [tilespmem:s4], [sflag:$0x1], $0x1, s28, s5, $0xb8;
	[tilespmem:$0x2B00] =	vst v63  }
0x87: {  	s29 =	sadd.s32 $0x400, s10  }
0x88: {  	[spmem:s2] =	stream.indirect.scatter.add.f32 [tilespmem:s4], [sflag:$0x1], $0x1, s29, s5, $0xb8;
	[tilespmem:$0x2B00] =	vst v63  }
0x89: {  	_ =	swait.ge [sflag:s6], $0x80  }
0x8a: {  	[sflag:s6] =	ssyncset.done $0x0  }
0x8b: {  	[sflag:s6] =	ssyncadd.s32 $0xFFFFFF80  }
0x8c: {  	_ =	swait.ge [sflag:s6], $0x80  }
0x8d: {  	[sflag:s6] =	ssyncset.done $0x0  }
0x8e: {  	[sflag:s6] =	ssyncadd.s32 $0xFFFFFF80  }
0x8f: {  	_ =	swait.ge [sflag:s6], $0x80  }
0x90: {  	[sflag:s6] =	ssyncset.done $0x0  }
0x91: {  	[sflag:s6] =	ssyncadd.s32 $0xFFFFFF80  }
0x92: {  	_ =	swait.ge [sflag:s6], $0x80  }
0x93: {  	[sflag:s6] =	ssyncset.done $0x0  }
0x94: {  	[sflag:s6] =	ssyncadd.s32 $0xFFFFFF80  }
0x95: {  	_ =	swait.ge [sflag:s6], $0x80  }
0x96: {  	[sflag:s6] =	ssyncset.done $0x0  }
0x97: {  	[sflag:s6] =	ssyncadd.s32 $0xFFFFFF80  }
0x98: {  	_ =	swait.ge [sflag:s6], $0x80  }
0x99: {  	[sflag:s6] =	ssyncset.done $0x0  }
0x9a: {  	[sflag:s6] =	ssyncadd.s32 $0xFFFFFF80  }
0x9b: {  	_ =	swait.ge [sflag:s6], $0x80  }
0x9c: {  	[sflag:s6] =	ssyncset.done $0x0  }
0x9d: {  	[sflag:s6] =	ssyncadd.s32 $0xFFFFFF80  }
0x9e: {  	_ =	swait.ge [sflag:s6], $0x80  }
0x9f: {  	[sflag:s6] =	ssyncset.done $0x0  }
0xa0: {  	s30 =	sshll.u32 s1, $0x6;
	s3 =	sshrl.u32 s3, $0x3;
	[sflag:s6] =	ssyncadd.s32 $0xFFFFFF80  }
0xa1: {  	s31 =	simm.s32 $0x2;
	s2 =	sor.u32 $0x1C02, s30;
	[bflag:$0x0] =	sbarrier.arrive $0xFFFF  }
0xa2: {  	[hbm:s7], [sflag:s2] =	dma.local [spmem:s3], $0x50  }
0xa3: {  	_ =	swait.ge [sflag:s31], $0x50  }
0xa4: {  	[sflag:s31] =	ssyncset.done $0x0  }
0xa5: {  	[sflag:s31] =	ssyncadd.s32 $0xFFFFFFB0  }
.LBB2_4:
0xa6: {  	_ =	sfence.sel $0x180000  }
0xa7: {  	[bflag:$0x0] =	sbarrier.arrive $0xFFFF  }
0xa8: {  	p0 =	sne.s32 s1, $0x0;
	_ =	strace $0x90000047  }
0xa9: {  	s0 =	sadd.s32 @!p0 $0x100000, s0;
	[bflag:$0x2] =	sbarrier.arrive $0xFFFF  }
0xaa: {  	[sflag:s0] =	ssyncadd.tile.s32 @!p0 $0x1;
	_ =	shalt  }
.Lfunc_end2:
_tile_overlayer_lowered:
.L_overlay_start_2:
0xab: {  	(tag) =	ssettag $0x2  }
0xac: {  	s0 =	rddreg [dreg:$0x0];
	s2 =	stileid.u32  }
0xad: {  	s1 =	rddreg [dreg:$0x1];
	p0 =	sne.s32 s2, $0x0  }
0xae: {  	s3 =	rddreg [dreg:$0x2];
	[bflag:$0x3] =	sbarrier.arrive $0xFFFF;
	s2 =	simm.s32 @!p0 $0x1C02  }
0xaf: {  	[timem:s3], [sflag:s2] =	dma.local @!p0 [hbm:s0], s1  }
0xb0: {  	s0 =	simm.s32 @!p0 $0x2  }
0xb1: {  	_ =	swait.ge @!p0 [sflag:s0], s1  }
0xb2: {  	s1 =	ssub.s32 @!p0 $0x0, s1;
	[sflag:s0] =	ssyncset.done @!p0 $0x0  }
0xb3: {  	[sflag:s0] =	ssyncadd.s32 @!p0 s1  }
0xb4: {  	[bflag:$0x3] =	sbarrier.arrive $0xFFFF  }
0xb5: {  	_ =	shalt  }

// kernel: kernel.9.cloned.1.call-start
scs
__scs_entry_jumppad:
0x0: {  	(pc) =	sbr.rel $0x88, $3  }
0x1: {  	(tag) =	ssettag $0x0;
	lr =	simm.s32 $0x1  }
0x2: {  	[smem:$0x3F9E] =	sst lr;
	_ =	strace $0xD0000000  }
0x3: {  	_ = 	snop  }
0x4: {  	_ = 	snop  }
0x5: {  	_ = 	snop  }
0x6: {  	_ = 	snop  }
0x7: {  	_ = 	snop  }
__scs_overlays_trampoline_lowered:
0x8: {  	[smem:$0x3FAD] =	sst s0  }
0x9: {  	[smem:$0x3FAE] =	sst s1  }
0xa: {  	[smem:$0x3FAF] =	sst s2  }
0xb: {  	[smem:$0x3FB0] =	sst s3  }
0xc: {  	[smem:$0x3FB1] =	sst s4  }
0xd: {  	[smem:$0x3FB2] =	sst s5  }
0xe: {  	[smem:$0x3FB3] =	sst s6  }
0xf: {  	[smem:$0x3FB4] =	sst s7  }
0x10: {  	[smem:$0x3FB5] =	sst s8  }
0x11: {  	[smem:$0x3FB6] =	sst s9;
	s0 =	simm.s32 @!p0 $0x0  }
0x12: {  	s1 =	sld [smem:$0x3F9C];
	s0 =	simm.s32 @p0 $0x1  }
0x13: {  	[smem:$0x3FB7] =	sst s0;
	s0 =	simm.s32 @!p1 $0x0  }
0x14: {  	s2 =	sld [smem:$0x3F9B];
	s0 =	simm.s32 @p1 $0x1  }
0x15: {  	[smem:$0x3FB8] =	sst s0;
	s0 =	simm.s32 @!p2 $0x0  }
0x16: {  	s3 =	sld [smem:$0x3FDB];
	s0 =	simm.s32 @p2 $0x1  }
0x17: {  	s4 =	simm.s32 $0x1BF5;
	[smem:$0x3FBA] =	sst s0  }
0x18: {  	s0 =	sld [smem:$0x3F9D];
	_ =	swait.ge [sflag:s4], $0x0  }
0x19: {  	s7 =	sld [smem:$0x3F9E]  }
0x1a: {  	s8 =	sadd.s32 $0xFFFFE003, lr  }
0x1b: {  	s9 =	sadd.s32 $0xFFFFFEF7, lr;
	s5 =	simm.s32 $0xFFFFFFFF;
	p2 =	slt.u32 s8, $0xFFFFF086  }
0x1c: {  	p1 =	slt.u32 s9, $0xF7A;
	s5 =	simm.s32 @!p2 $0x0  }
0x1d: {  	s5 =	simm.s32 @p1 $0x1;
	p0 =	seq.s32 s7, s2  }
0x1e: {  	s7 =	smul.u32 @!p0 $0xF7A, s2;
	p2 =	seq.s32 @!p0 s5, $0x0  }
0x1f: {  	s9 =	smul.u32 $0xF7A, s1;
	s8 =	simm.s32 @!p0 $0x1BF5;
	p2 =	por !p2, p0  }
0x20: {  	[sflag:s8] =	ssyncset.s32 @!p0 $0xFFFFF086;
	s6 =	sadd.s32 @!p0 s3, s7;
	s7 =	simm.s32 @!p0 $0x108  }
0x21: {  	s3 =	sadd.s32 s3, s9;
	s6 =	sadd.s32 @!p0 $0x88, s6;
	s7 =	simm.s32 @p2 $0x1082  }
0x22: {  	[simem:s7], [sflag:s8] =	dma.local @!p0 [hbm:s6], $0xF7A  }
0x23: {  	s9 =	sor.u32 $0xD0000000, s2;
	s6 =	simm.s32 $0x108;
	_ =	swait.ge @!p0 [sflag:s8], $0x0  }
0x24: {  	s3 =	sadd.s32 $0x88, s3;
	s6 =	simm.s32 @!p1 $0x1082;
	[sflag:s4] =	ssyncset.s32 $0xFFFFF086  }
0x25: {  	[simem:s6], [sflag:s4] =	dma.local [hbm:s3], $0xF7A  }
0x26: {  	[smem:$0x3F9E] =	sst s1;
	(tag) =	ssettag s2;
	_ =	strace s9  }
0x27: {  	s1 =	sld [smem:$0x3FAE]  }
0x28: {  	s2 =	sld [smem:$0x3FAF]  }
0x29: {  	s4 =	sld [smem:$0x3FB1]  }
0x2a: {  	p0 =	seq.s32 s5, $0x0;
	s5 =	sld [smem:$0x3FB2]  }
0x2b: {  	s6 =	sld [smem:$0x3FB3]  }
0x2c: {  	s7 =	sld [smem:$0x3FB4]  }
0x2d: {  	s3 =	simm.s32 $0x108;
	s8 =	sld [smem:$0x3FB5]  }
0x2e: {  	s3 =	simm.s32 @!p0 $0x1082;
	s9 =	sld [smem:$0x3FB6]  }
0x2f: {  	lr =	sadd.s32 s0, s3;
	s0 =	sld [smem:$0x3FAD]  }
0x30: {  	s3 =	sld [smem:$0x3FB0]  }
0x31: {  	[smem:$0x3FB9] =	sst s10  }
0x32: {  	s10 =	sld [smem:$0x3FB7];
	_ =	sdelay $0x3  }
0x33: {  	p0 =	seq.s32 s10, $0x1;
	s10 =	sld [smem:$0x3FB9];
	_ =	sdelay $0x3  }
0x34: {  	[smem:$0x3FB9] =	sst s10  }
0x35: {  	s10 =	sld [smem:$0x3FB8];
	_ =	sdelay $0x3  }
0x36: {  	p1 =	seq.s32 s10, $0x1;
	s10 =	sld [smem:$0x3FB9];
	_ =	sdelay $0x3  }
0x37: {  	[smem:$0x3FB9] =	sst s10  }
0x38: {  	s10 =	sld [smem:$0x3FBA]  }
0x39: {  	_ = 	snop;
	(pc) =	sbr.ind lr, $3  }
0x3a: {  	_ = 	snop  }
0x3b: {  	_ = 	snop  }
0x3c: {  	p2 =	seq.s32 s10, $0x1;
	s10 =	sld [smem:$0x3FB9]  }
0x3d: {  	_ =	shalt  }
0x3e: {  	_ =	shalt  }
0x3f: {  	_ =	shalt  }
0x40: {  	_ =	shalt  }
0x41: {  	_ =	shalt  }
0x42: {  	_ =	shalt  }
0x43: {  	_ =	shalt  }
0x44: {  	_ =	shalt  }
0x45: {  	_ =	shalt  }
0x46: {  	_ =	shalt  }
0x47: {  	_ =	shalt  }
0x48: {  	_ =	shalt  }
0x49: {  	_ =	shalt  }
0x4a: {  	_ =	shalt  }
0x4b: {  	_ =	shalt  }
0x4c: {  	_ =	shalt  }
0x4d: {  	_ =	shalt  }
0x4e: {  	_ =	shalt  }
0x4f: {  	_ =	shalt  }
0x50: {  	_ =	shalt  }
0x51: {  	_ =	shalt  }
0x52: {  	_ =	shalt  }
0x53: {  	_ =	shalt  }
0x54: {  	_ =	shalt  }
0x55: {  	_ =	shalt  }
0x56: {  	_ =	shalt  }
0x57: {  	_ =	shalt  }
0x58: {  	_ =	shalt  }
0x59: {  	_ =	shalt  }
0x5a: {  	_ =	shalt  }
0x5b: {  	_ =	shalt  }
0x5c: {  	_ =	shalt  }
0x5d: {  	_ =	shalt  }
0x5e: {  	_ =	shalt  }
0x5f: {  	_ =	shalt  }
0x60: {  	_ =	shalt  }
0x61: {  	_ =	shalt  }
0x62: {  	_ =	shalt  }
0x63: {  	_ =	shalt  }
0x64: {  	_ =	shalt  }
0x65: {  	_ =	shalt  }
0x66: {  	_ =	shalt  }
0x67: {  	_ =	shalt  }
0x68: {  	_ =	shalt  }
0x69: {  	_ =	shalt  }
0x6a: {  	_ =	shalt  }
0x6b: {  	_ =	shalt  }
0x6c: {  	_ =	shalt  }
0x6d: {  	_ =	shalt  }
0x6e: {  	_ =	shalt  }
0x6f: {  	_ =	shalt  }
0x70: {  	_ =	shalt  }
0x71: {  	_ =	shalt  }
0x72: {  	_ =	shalt  }
0x73: {  	_ =	shalt  }
0x74: {  	_ =	shalt  }
0x75: {  	_ =	shalt  }
0x76: {  	_ =	shalt  }
0x77: {  	_ =	shalt  }
0x78: {  	_ =	shalt  }
0x79: {  	_ =	shalt  }
0x7a: {  	_ =	shalt  }
0x7b: {  	_ =	shalt  }
0x7c: {  	_ =	shalt  }
0x7d: {  	_ =	shalt  }
0x7e: {  	_ =	shalt  }
0x7f: {  	_ =	shalt  }
0x80: {  	_ =	shalt  }
0x81: {  	_ =	shalt  }
0x82: {  	_ =	shalt  }
0x83: {  	_ =	shalt  }
0x84: {  	_ =	shalt  }
0x85: {  	_ =	shalt  }
0x86: {  	_ =	shalt  }
0x87: {  	_ =	shalt  }
.Lfunc_end0:
.L_simem_size_0:
called_computation.1_lowered:
.L_overlay_start_0:
0x88: {  	s2 =	sld [smem:$0x3FD9]  }
0x89: {  	s3 =	sld [smem:$0x3FFE];
	_ =	sdelay $0x1  }
0x8a: {  	s1 =	srdreg.scid  }
0x8b: {  	s0 =	sand.u32 $0x1, s1  }
0x8c: {  	s17 =	sshll.u32 s0, $0xA;
	s2 =	sadd.s32 s3, s2  }
0x8d: {  	s2 =	sadd.s32 s2, s17  }
0x8e: {  	[smem:$0x3FC5] =	sst s2  }
0x8f: {  	_ = 	snop  }
0x90: {  	s2 =	sld [smem:$0x3FD0];
	(tm) =	ssettm $0x1  }
0x91: {  	s18 =	sld [smem:$0x3FFB];
	_ =	sdelay $0x3  }
0x92: {  	_ =	strace s18  }
0x93: {  	s3 =	sld [smem:$0x3FFC];
	_ =	sdelay $0x3  }
0x94: {  	_ =	strace s3  }
0x95: {  	s3 =	sld [smem:$0x3FFD];
	_ =	sdelay $0x3  }
0x96: {  	_ =	strace s3  }
0x97: {  	_ =	strace $0x8FFFFFFF  }
0x98: {  	s19 =	sld [smem:$0x3FDB];
	_ =	sdelay $0x1  }
0x99: {  	s4 =	simm.s32 $_scs_section_size  }
0x9a: {  	s5 =	simm.s32 $_size__tile_overlayer_lowered;
	s6 =	simm.s32 $_tile_overlayer_lowered  }
0x9b: {  	s22 =	simm.s32 $0x1BFF;
	s21 =	sshll.u32 s6, $0x1;
	s3 =	sadd.s32 s4, s19  }
0x9c: {  	s7 =	simm.s32 $0x0;
	s20 =	sshll.u32 s5, $0x1;
	s5 =	sadd.s32 s21, s3  }
0x9d: {  	[timem:s7], [sflag:s22] =	dma.local [hbm:s5], s20  }
0x9e: {  	_ =	swait.ge [sflag:s22], s20  }
0x9f: {  	s4 =	ssub.s32 $0x0, s20;
	[sflag:s22] =	ssyncset.done $0x0  }
0xa0: {  	[sflag:s22] =	ssyncadd.s32 s4;
	_ =	sdelay $0x1  }
0xa1: {  	s23 =	simm.s32 $0x1B8B  }
0xa2: {  	_ =	swait.ge [sflag:s23], $0x1  }
0xa3: {  	[sflag:s23] =	ssyncset.done $0x0  }
0xa4: {  	s25 =	simm.s32 $0x1B8E;
	s24 =	sld [smem:$0x3FFE];
	[sflag:s23] =	ssyncadd.s32 $0xFFFFFFFF  }
0xa5: {  	s26 =	simm.s32 $execute0_lowered;
	[smem:$0x3FD2] =	sst s25  }
0xa6: {  	s5 =	sshll.u32 s26, $0x1;
	_ =	strace $0x80000049;
	[dreg:$0x1] =	wrdreg $0xFFFFFFFF  }
0xa7: {  	s28 =	simm.s32 $_size_execute0_lowered;
	s3 =	sadd.s32 s3, s5;
	[dreg:$0x0] =	wrdreg $0x0  }
0xa8: {  	s5 =	sshll.u32 s28, $0x1;
	[dreg:$0x2] =	wrdreg s3  }
0xa9: {  	[dreg:$0x3] =	wrdreg s5  }
0xaa: {  	[dreg:$0x4] =	wrdreg $0xC0  }
0xab: {  	_ =	task [dreg:s7], $0x5FFFF  }
0xac: {  	[dreg:$0x1] =	wrdreg $0xFFFFFFFF  }
0xad: {  	[dreg:$0x0] =	wrdreg $0x60  }
0xae: {  	[dreg:$0x2] =	wrdreg s24  }
0xaf: {  	[dreg:$0x3] =	wrdreg s2  }
0xb0: {  	[dreg:$0x4] =	wrdreg $0x82000  }
0xb1: {  	[dreg:$0x5] =	wrdreg $0x9  }
0xb2: {  	_ =	task.clear_ibuf [dreg:s7], $0x6FFFF;
	_ =	strace $0x90000049  }
0xb3: {  	s29 =	simm.s32 $0x9;
	_ =	strace $0x8000004B  }
0xb4: {  	_ =	swait.ge [sflag:s29], $0x1  }
0xb5: {  	[sflag:s29] =	ssyncadd.s32 $0xFFFFFFFF  }
0xb6: {  	_ =	strace $0x9000004B  }
0xb7: {  	_ =	sfence  }
0xb8: {  	s30 =	sld [smem:$0x0];
	_ =	sdelay $0x2  }
0xb9: {  	s31 =	sshll.u32 s1, $0xD;
	s1 =	sshrl.u32 s1, $0x2  }
0xba: {  	s3 =	sand.u32 $0x4000, s31;
	s1 =	sadd.s32 s1, s30  }
0xbb: {  	s0 =	sor.u32 s3, s0;
	s1 =	sshll.u32 s1, $0x11  }
0xbc: {  	s0 =	sor.u32 s1, s0  }
0xbd: {  	s0 =	sadd.s32 $0x8F2B, s0  }
0xbe: {  	[sflag:s0] =	ssyncadd.remote.s32 $0x1  }
0xbf: {  	_ =	sfence.sel $0xFFFF  }
0xc0: {  	[dreg:$0x0] =	wrdreg $0xFFFFFFFF;
	(pc) =	sbr.abs _section_cstart, $3  }
0xc1: {  	[dreg:$0x1] =	wrdreg $0xFFFFFFFF  }
0xc2: {  	_ =	task.clear_ibuf [dreg:s7], $0x2FFFF;
	_ =	strace $0x9FFFFFFF  }
0xc3: {  	(tm) =	ssettm $0x7FFFFFFF  }
tec
execute0_lowered:
.L_overlay_start_1:
0x0: {  	(tag) =	ssettag $0x1  }
0x1: {  	s0 =	rddreg [dreg:$0x0]  }
0x2: {  	s1 =	rddreg [dreg:$0x1]  }
0x3: {  	s3 =	rddreg [dreg:$0x2];
	s4 =	simm.s32 $0x0  }
0x4: {  	s7 =	stileid.u32;
	s6 =	srdreg.scid;
	s19 =	simm.s32 $0x7  }
0x5: {  	s20 =	simm.s32 $0x1;
	s21 =	simm.s32 $0x80;
	s22 =	simm.s32 $0x200  }
0x6: {  	s23 =	simm.s32 $0x100;
	s28 =	simm.s32 $0x5;
	s29 =	simm.s32 $0x4  }
0x7: {  	s30 =	simm.s32 $0x180;
	s31 =	simm.s32 $0x6;
	[smem:$0x7FF] =	sst s4  }
0x8: {  	s2 =	sshll.u32 s7, $0x5;
	s5 =	sadd.s32 $0xB800, s0;
	s6 =	sand.u32 $0x1, s6  }
0x9: {  	s8 =	sadd.s32 $0x33800, s0;
	s10 =	smul.u32 $0x50000, s7;
	s16 =	sshll.u32 s7, $0x6  }
0xa: {  	_ =	strace $0x8000004A;
	s2 =	sadd.s32 s2, s0;
	[dreg:$0x4] =	wrdreg s8  }
0xb: {  	s9 =	ssub.s32 $0x2, s6;
	s0 =	sadd.s32 $0x5B800, s0;
	s8 =	smul.u32 $0x2800, s7  }
0xc: {  	p0 =	seq.s32 s6, $0x1;
	[dreg:$0x5] =	wrdreg s0;
	s24 =	sshrl.u32 s9, $0x1  }
0xd: {  	s25 =	sshrl.u32 s10, $0x2;
	s11 =	sadd.s32 $0x1C00, s2;
	s14 =	sadd.s32 $0x1A00, s2  }
.Ltmp0:
0xe: {  	s15 =	sadd.s32 $0xB600, s2;
	s0 =	ssub.s32 s9, s24;
	(pc) =	sbr.rel .LBB2_1-.Ltmp0, $4  }
0xf: {  	s9 =	sadd.s32 $0x1800, s2;
	s6 =	sadd.s32 s25, s3;
	s26 =	sadd.s32 s1, s8  }
0x10: {  	s12 =	sadd.s32 s5, s8;
	s2 =	sor.u32 $0x1C07, s16;
	s24 =	simm.s32 $0x3  }
0x11: {  	s25 =	simm.s32 $0x2;
	[dreg:$0x6] =	wrdreg s26;
	s13 =	smax.u32 s0, $0x1  }
0x12: {  	s18 =	sshrl.u32 s6, $0x3;
	s26 =	simm.s32 $0x4200;
	s0 =	simm.s32 $0x0  }
.LBB2_7:
0x13: {  	[spmem:s3] =	stream.indirect.scatter.add.f32 [tilespmem:s26], [sflag:$0x6], $0x80, s30, s21, $0xb8;
	[tilespmem:$0x1C200] =	vst v63  }
0x14: {  	_ =	swait.ge [sflag:s20], $0x100  }
0x15: {  	[sflag:s20] =	ssyncset.done $0x0  }
0x16: {  	[sflag:s20] =	ssyncadd.s32 $0xFFFFFF00  }
0x17: {  	[tilespmem:s22], [sflag:$0x3] =	stream.indirect.gather [hbm4b:s5+s21], $0x80, s4, s21, $0xb8;
	[tilespmem:$0x1C200] =	vst v63  }
0x18: {  	_ =	swait.ge [sflag:s31], $0x4000  }
0x19: {  	[sflag:s31] =	ssyncset.done $0x0  }
0x1a: {  	[sflag:s31] =	ssyncadd.s32 $0xFFFFC000  }
0x1b: {  	[tilespmem:s23], [sflag:$0x2] =	stream.linear.gather [hbm4b:s15+s4], $0x100, $0x38;
	[tilespmem:$0x1C200] =	vst v63  }
0x1c: {  	_ =	swait.ge [sflag:s24], $0x4000  }
0x1d: {  	[sflag:s24] =	ssyncset.done $0x0  }
0x1e: {  	[sflag:s24] =	ssyncadd.s32 $0xFFFFC000  }
0x1f: {  	[spmem:s3] =	stream.indirect.scatter.add.f32 [tilespmem:s22], [sflag:$0x5], $0x80, s21, s21, $0xb8;
	[tilespmem:$0x1C200] =	vst v63  }
0x20: {  	_ =	swait.ge [sflag:s25], $0x100  }
0x21: {  	[sflag:s25] =	ssyncset.done $0x0  }
0x22: {  	[sflag:s25] =	ssyncadd.s32 $0xFFFFFF00  }
0x23: {  	[tilespmem:s26], [sflag:$0x4] =	stream.indirect.gather [hbm4b:s5+s21], $0x80, s23, s21, $0xb8;
	[tilespmem:$0x1C200] =	vst v63  }
0x24: {  	_ =	swait.ge [sflag:s28], $0x4000  }
0x25: {  	[sflag:s28] =	ssyncset.done $0x0  }
0x26: {  	[sflag:s28] =	ssyncadd.s32 $0xFFFFC000  }
0x27: {  	_ =	swait.ge [sflag:s29], $0x4000  }
0x28: {  	[sflag:s29] =	ssyncset.done $0x0  }
0x29: {  	s17 =	smov.u32 s2;
	s6 =	rddreg [dreg:$0x5];
	[sflag:s29] =	ssyncadd.s32 $0xFFFFC000  }
0x2a: {  	[spmem:s3] =	stream.indirect.scatter.add.f32 [tilespmem:s26], [sflag:$0x6], $0x80, s30, s21, $0xb8;
	[tilespmem:$0x1C200] =	vst v63  }
.LBB2_8:
0x2b: {  	_ =	swait.ge [sflag:s31], $0x4000  }
0x2c: {  	s0 =	sadd.s32 $0x1, s0;
	[sflag:s31] =	ssyncset.done $0x0  }
0x2d: {  	p1 =	sne.s32 s0, s13;
	[sflag:s31] =	ssyncadd.s32 $0xFFFFC000  }
.Ltmp1:
0x2e: {  	s6 =	sadd.s32 s6, s8;
	[bflag:$0x0] =	sbarrier.arrive $0xFFFF;
	(pc) =	sbr.rel @!p1 .LBB2_9-.Ltmp1, $4  }
0x2f: {  	[hbm:s6], [sflag:s17] =	dma.local [spmem:s18], $0x2800  }
0x30: {  	_ =	swait.ge [sflag:s19], $0x2800  }
0x31: {  	[sflag:s19] =	ssyncset.done $0x0  }
0x32: {  	[sflag:s19] =	ssyncadd.s32 $0xFFFFD800  }
.LBB2_1:
.Ltmp2:
0x33: {  	(pc) =	sbr.rel @!p0 .LBB2_2-.Ltmp2, $2  }
0x34: {  	_ =	sdelay $0x2  }
0x35: {  	[tilespmem:s4], [sflag:$0x1] =	stream.linear.gather [hbm4b:s9+s4], $0x100, $0x38;
	[tilespmem:$0x1C200] =	vst v63  }
0x36: {  	[spmem:s18], [sflag:s2] =	dma.local [hbm:s12], $0x2800  }
0x37: {  	_ =	swait.ge [sflag:s19], $0x2800  }
0x38: {  	[sflag:s19] =	ssyncset.done $0x0  }
0x39: {  	[sflag:s19] =	ssyncadd.s32 $0xFFFFD800  }
0x3a: {  	[bflag:$0x0] =	sbarrier.arrive $0xFFFF  }
0x3b: {  	_ =	swait.ge [sflag:s20], $0x100  }
0x3c: {  	[sflag:s20] =	ssyncset.done $0x0  }
0x3d: {  	[sflag:s20] =	ssyncadd.s32 $0xFFFFFF00  }
0x3e: {  	[tilespmem:s22], [sflag:$0x3] =	stream.indirect.gather [hbm4b:s5+s21], $0x80, s4, s21, $0xb8;
	[tilespmem:$0x1C200] =	vst v63  }
0x3f: {  	_ = 	snop  }
0x40: {  	[tilespmem:s23], [sflag:$0x2] =	stream.linear.gather [hbm4b:s14+s4], $0x100, $0x38;
	[tilespmem:$0x1C200] =	vst v63  }
0x41: {  	_ =	swait.ge [sflag:s24], $0x4000  }
0x42: {  	[sflag:s24] =	ssyncset.done $0x0  }
0x43: {  	[sflag:s24] =	ssyncadd.s32 $0xFFFFC000  }
0x44: {  	[spmem:s3] =	stream.indirect.scatter.add.f32 [tilespmem:s22], [sflag:$0x5], $0x80, s21, s21, $0xb8;
	[tilespmem:$0x1C200] =	vst v63  }
0x45: {  	_ =	swait.ge [sflag:s25], $0x100  }
0x46: {  	[sflag:s25] =	ssyncset.done $0x0  }
0x47: {  	[sflag:s25] =	ssyncadd.s32 $0xFFFFFF00  }
0x48: {  	[tilespmem:s26], [sflag:$0x4] =	stream.indirect.gather [hbm4b:s5+s21], $0x80, s23, s21, $0xb8;
	[tilespmem:$0x1C200] =	vst v63  }
0x49: {  	_ =	swait.ge [sflag:s28], $0x4000  }
0x4a: {  	[sflag:s28] =	ssyncset.done $0x0  }
0x4b: {  	[sflag:s28] =	ssyncadd.s32 $0xFFFFC000  }
0x4c: {  	[tilespmem:s4], [sflag:$0x1] =	stream.linear.gather [hbm4b:s11+s4], $0x100, $0x38;
	[tilespmem:$0x1C200] =	vst v63  }
0x4d: {  	_ =	swait.ge [sflag:s29], $0x4000  }
0x4e: {  	[sflag:s29] =	ssyncset.done $0x0  }
0x4f: {  	[sflag:s29] =	ssyncadd.s32 $0xFFFFC000  }
0x50: {  	[spmem:s3] =	stream.indirect.scatter.add.f32 [tilespmem:s26], [sflag:$0x6], $0x80, s30, s21, $0xb8;
	[tilespmem:$0x1C200] =	vst v63  }
0x51: {  	_ =	swait.ge [sflag:s20], $0x100  }
0x52: {  	[sflag:s20] =	ssyncset.done $0x0  }
0x53: {  	[sflag:s20] =	ssyncadd.s32 $0xFFFFFF00  }
0x54: {  	[tilespmem:s22], [sflag:$0x3] =	stream.indirect.gather [hbm4b:s5+s21], $0x80, s4, s21, $0xb8;
	[tilespmem:$0x1C200] =	vst v63  }
0x55: {  	_ =	swait.ge [sflag:s31], $0x4000  }
0x56: {  	s6 =	sadd.s32 $0xFFFF6800, s9;
	[sflag:s31] =	ssyncset.done $0x0  }
0x57: {  	s7 =	sadd.s32 $0x9E00, s6;
	[sflag:s31] =	ssyncadd.s32 $0xFFFFC000  }
0x58: {  	[tilespmem:s23], [sflag:$0x2] =	stream.linear.gather [hbm4b:s7+s4], $0x100, $0x38;
	[tilespmem:$0x1C200] =	vst v63  }
0x59: {  	_ =	swait.ge [sflag:s24], $0x4000  }
0x5a: {  	[sflag:s24] =	ssyncset.done $0x0  }
0x5b: {  	[sflag:s24] =	ssyncadd.s32 $0xFFFFC000  }
0x5c: {  	[spmem:s3] =	stream.indirect.scatter.add.f32 [tilespmem:s22], [sflag:$0x5], $0x80, s21, s21, $0xb8;
	[tilespmem:$0x1C200] =	vst v63  }
0x5d: {  	_ =	swait.ge [sflag:s25], $0x100  }
0x5e: {  	[sflag:s25] =	ssyncset.done $0x0  }
0x5f: {  	[sflag:s25] =	ssyncadd.s32 $0xFFFFFF00  }
0x60: {  	[tilespmem:s26], [sflag:$0x4] =	stream.indirect.gather [hbm4b:s5+s21], $0x80, s23, s21, $0xb8;
	[tilespmem:$0x1C200] =	vst v63  }
0x61: {  	_ =	swait.ge [sflag:s28], $0x4000  }
0x62: {  	[sflag:s28] =	ssyncset.done $0x0  }
0x63: {  	s6 =	sadd.s32 $0xA000, s6;
	[sflag:s28] =	ssyncadd.s32 $0xFFFFC000  }
0x64: {  	[tilespmem:s4], [sflag:$0x1] =	stream.linear.gather [hbm4b:s6+s4], $0x100, $0x38;
	[tilespmem:$0x1C200] =	vst v63  }
0x65: {  	_ =	swait.ge [sflag:s29], $0x4000  }
0x66: {  	[sflag:s29] =	ssyncset.done $0x0  }
0x67: {  	s6 =	simm.s32 $0xFFFF6C00;
	[sflag:s29] =	ssyncadd.s32 $0xFFFFC000  }
.LBB2_6:
0x68: {  	[spmem:s3] =	stream.indirect.scatter.add.f32 [tilespmem:s26], [sflag:$0x6], $0x80, s30, s21, $0xb8;
	[tilespmem:$0x1C200] =	vst v63  }
0x69: {  	s7 =	smov.u32 s6  }
0x6a: {  	p1 =	sne.s32 s6, $0xFFFFFC00;
	s6 =	sadd.s32 $0x400, s6;
	_ =	swait.ge [sflag:s20], $0x100  }
0x6b: {  	[sflag:s20] =	ssyncset.done $0x0  }
0x6c: {  	[sflag:s20] =	ssyncadd.s32 $0xFFFFFF00  }
0x6d: {  	[tilespmem:s22], [sflag:$0x3] =	stream.indirect.gather [hbm4b:s5+s21], $0x80, s4, s21, $0xb8;
	[tilespmem:$0x1C200] =	vst v63  }
0x6e: {  	_ =	swait.ge [sflag:s31], $0x4000  }
0x6f: {  	s7 =	sadd.s32 s7, s9;
	[sflag:s31] =	ssyncset.done $0x0  }
0x70: {  	s10 =	sadd.s32 $0x9E00, s7;
	[sflag:s31] =	ssyncadd.s32 $0xFFFFC000  }
0x71: {  	[tilespmem:s23], [sflag:$0x2] =	stream.linear.gather [hbm4b:s10+s4], $0x100, $0x38;
	[tilespmem:$0x1C200] =	vst v63  }
0x72: {  	_ =	swait.ge [sflag:s24], $0x4000  }
0x73: {  	[sflag:s24] =	ssyncset.done $0x0  }
0x74: {  	[sflag:s24] =	ssyncadd.s32 $0xFFFFC000  }
0x75: {  	[spmem:s3] =	stream.indirect.scatter.add.f32 [tilespmem:s22], [sflag:$0x5], $0x80, s21, s21, $0xb8;
	[tilespmem:$0x1C200] =	vst v63  }
0x76: {  	_ =	swait.ge [sflag:s25], $0x100  }
0x77: {  	[sflag:s25] =	ssyncset.done $0x0  }
0x78: {  	[sflag:s25] =	ssyncadd.s32 $0xFFFFFF00  }
0x79: {  	[tilespmem:s26], [sflag:$0x4] =	stream.indirect.gather [hbm4b:s5+s21], $0x80, s23, s21, $0xb8;
	[tilespmem:$0x1C200] =	vst v63  }
0x7a: {  	_ =	swait.ge [sflag:s28], $0x4000  }
0x7b: {  	[sflag:s28] =	ssyncset.done $0x0  }
.Ltmp3:
0x7c: {  	s7 =	sadd.s32 $0xA000, s7;
	[sflag:s28] =	ssyncadd.s32 $0xFFFFC000;
	(pc) =	sbr.rel @p1 .LBB2_6-.Ltmp3, $4  }
0x7d: {  	[tilespmem:s4], [sflag:$0x1] =	stream.linear.gather [hbm4b:s7+s4], $0x100, $0x38;
	[tilespmem:$0x1C200] =	vst v63  }
0x7e: {  	_ =	swait.ge [sflag:s29], $0x4000  }
0x7f: {  	[sflag:s29] =	ssyncset.done $0x0  }
0x80: {  	[sflag:s29] =	ssyncadd.s32 $0xFFFFC000  }
.Ltmp4:
0x81: {  	_ = 	snop;
	(pc) =	sbr.rel .LBB2_7-.Ltmp4, $1  }
0x82: {  	_ =	sdelay $0x3  }
.LBB2_2:
0x83: {  	s17 =	sor.u32 $0x1C07, s16;
	s6 =	rddreg [dreg:$0x6]  }
0x84: {  	[spmem:s18], [sflag:s17] =	dma.local [hbm:s6], $0x2800  }
0x85: {  	_ =	swait.ge [sflag:s19], $0x2800  }
0x86: {  	[sflag:s19] =	ssyncset.done $0x0  }
0x87: {  	[sflag:s19] =	ssyncadd.s32 $0xFFFFD800  }
0x88: {  	[bflag:$0x0] =	sbarrier.arrive $0xFFFF  }
0x89: {  	_ =	swait.ge [sflag:s20], $0x100  }
0x8a: {  	[sflag:s20] =	ssyncset.done $0x0  }
0x8b: {  	[sflag:s20] =	ssyncadd.s32 $0xFFFFFF00  }
0x8c: {  	[tilespmem:s22], [sflag:$0x3] =	stream.indirect.gather [hbm4b:s1+s21], $0x80, s4, s21, $0xb8;
	[tilespmem:$0x1C200] =	vst v63  }
0x8d: {  	_ = 	snop  }
0x8e: {  	[tilespmem:s23], [sflag:$0x2] =	stream.linear.gather [hbm4b:s14+s4], $0x100, $0x38;
	[tilespmem:$0x1C200] =	vst v63  }
0x8f: {  	_ =	swait.ge [sflag:s24], $0x4000  }
0x90: {  	[sflag:s24] =	ssyncset.done $0x0  }
0x91: {  	[sflag:s24] =	ssyncadd.s32 $0xFFFFC000  }
0x92: {  	[spmem:s3] =	stream.indirect.scatter.add.f32 [tilespmem:s22], [sflag:$0x5], $0x80, s21, s21, $0xb8;
	[tilespmem:$0x1C200] =	vst v63  }
0x93: {  	_ =	swait.ge [sflag:s25], $0x100  }
0x94: {  	[sflag:s25] =	ssyncset.done $0x0  }
0x95: {  	[sflag:s25] =	ssyncadd.s32 $0xFFFFFF00  }
0x96: {  	[tilespmem:s26], [sflag:$0x4] =	stream.indirect.gather [hbm4b:s1+s21], $0x80, s23, s21, $0xb8;
	[tilespmem:$0x1C200] =	vst v63  }
0x97: {  	_ =	swait.ge [sflag:s28], $0x4000  }
0x98: {  	[sflag:s28] =	ssyncset.done $0x0  }
0x99: {  	[sflag:s28] =	ssyncadd.s32 $0xFFFFC000  }
0x9a: {  	[tilespmem:s4], [sflag:$0x1] =	stream.linear.gather [hbm4b:s11+s4], $0x100, $0x38;
	[tilespmem:$0x1C200] =	vst v63  }
0x9b: {  	_ =	swait.ge [sflag:s29], $0x4000  }
0x9c: {  	[sflag:s29] =	ssyncset.done $0x0  }
0x9d: {  	[sflag:s29] =	ssyncadd.s32 $0xFFFFC000  }
0x9e: {  	[spmem:s3] =	stream.indirect.scatter.add.f32 [tilespmem:s26], [sflag:$0x6], $0x80, s30, s21, $0xb8;
	[tilespmem:$0x1C200] =	vst v63  }
0x9f: {  	_ =	swait.ge [sflag:s20], $0x100  }
0xa0: {  	[sflag:s20] =	ssyncset.done $0x0  }
0xa1: {  	[sflag:s20] =	ssyncadd.s32 $0xFFFFFF00  }
0xa2: {  	[tilespmem:s22], [sflag:$0x3] =	stream.indirect.gather [hbm4b:s1+s21], $0x80, s4, s21, $0xb8;
	[tilespmem:$0x1C200] =	vst v63  }
0xa3: {  	_ =	swait.ge [sflag:s31], $0x4000  }
0xa4: {  	s10 =	sadd.s32 $0xFFFF6800, s9;
	[sflag:s31] =	ssyncset.done $0x0  }
0xa5: {  	s7 =	sadd.s32 $0x9E00, s10;
	[sflag:s31] =	ssyncadd.s32 $0xFFFFC000  }
0xa6: {  	[tilespmem:s23], [sflag:$0x2] =	stream.linear.gather [hbm4b:s7+s4], $0x100, $0x38;
	[tilespmem:$0x1C200] =	vst v63  }
0xa7: {  	_ =	swait.ge [sflag:s24], $0x4000  }
0xa8: {  	[sflag:s24] =	ssyncset.done $0x0  }
0xa9: {  	[sflag:s24] =	ssyncadd.s32 $0xFFFFC000  }
0xaa: {  	[spmem:s3] =	stream.indirect.scatter.add.f32 [tilespmem:s22], [sflag:$0x5], $0x80, s21, s21, $0xb8;
	[tilespmem:$0x1C200] =	vst v63  }
0xab: {  	_ =	swait.ge [sflag:s25], $0x100  }
0xac: {  	[sflag:s25] =	ssyncset.done $0x0  }
0xad: {  	[sflag:s25] =	ssyncadd.s32 $0xFFFFFF00  }
0xae: {  	[tilespmem:s26], [sflag:$0x4] =	stream.indirect.gather [hbm4b:s1+s21], $0x80, s23, s21, $0xb8;
	[tilespmem:$0x1C200] =	vst v63  }
0xaf: {  	_ =	swait.ge [sflag:s28], $0x4000  }
0xb0: {  	[sflag:s28] =	ssyncset.done $0x0  }
0xb1: {  	s6 =	sadd.s32 $0xA000, s10;
	[sflag:s28] =	ssyncadd.s32 $0xFFFFC000  }
0xb2: {  	[tilespmem:s4], [sflag:$0x1] =	stream.linear.gather [hbm4b:s6+s4], $0x100, $0x38;
	[tilespmem:$0x1C200] =	vst v63  }
0xb3: {  	_ =	swait.ge [sflag:s29], $0x4000  }
0xb4: {  	[sflag:s29] =	ssyncset.done $0x0  }
0xb5: {  	s6 =	simm.s32 $0xFFFF6C00;
	[sflag:s29] =	ssyncadd.s32 $0xFFFFC000  }
.LBB2_3:
0xb6: {  	[spmem:s3] =	stream.indirect.scatter.add.f32 [tilespmem:s26], [sflag:$0x6], $0x80, s30, s21, $0xb8;
	[tilespmem:$0x1C200] =	vst v63  }
0xb7: {  	s7 =	smov.u32 s6  }
0xb8: {  	p1 =	seq.s32 s6, $0xFFFFFC00;
	s6 =	sadd.s32 $0x400, s6;
	_ =	swait.ge [sflag:s20], $0x100  }
0xb9: {  	[sflag:s20] =	ssyncset.done $0x0  }
0xba: {  	[sflag:s20] =	ssyncadd.s32 $0xFFFFFF00  }
0xbb: {  	[tilespmem:s22], [sflag:$0x3] =	stream.indirect.gather [hbm4b:s1+s21], $0x80, s4, s21, $0xb8;
	[tilespmem:$0x1C200] =	vst v63  }
0xbc: {  	_ =	swait.ge [sflag:s31], $0x4000  }
0xbd: {  	s7 =	sadd.s32 s7, s9;
	[sflag:s31] =	ssyncset.done $0x0  }
0xbe: {  	s10 =	sadd.s32 $0x9E00, s7;
	[sflag:s31] =	ssyncadd.s32 $0xFFFFC000  }
0xbf: {  	[tilespmem:s23], [sflag:$0x2] =	stream.linear.gather [hbm4b:s10+s4], $0x100, $0x38;
	[tilespmem:$0x1C200] =	vst v63  }
0xc0: {  	_ =	swait.ge [sflag:s24], $0x4000  }
0xc1: {  	[sflag:s24] =	ssyncset.done $0x0  }
0xc2: {  	[sflag:s24] =	ssyncadd.s32 $0xFFFFC000  }
0xc3: {  	[spmem:s3] =	stream.indirect.scatter.add.f32 [tilespmem:s22], [sflag:$0x5], $0x80, s21, s21, $0xb8;
	[tilespmem:$0x1C200] =	vst v63  }
0xc4: {  	_ =	swait.ge [sflag:s25], $0x100  }
0xc5: {  	[sflag:s25] =	ssyncset.done $0x0  }
0xc6: {  	[sflag:s25] =	ssyncadd.s32 $0xFFFFFF00  }
0xc7: {  	[tilespmem:s26], [sflag:$0x4] =	stream.indirect.gather [hbm4b:s1+s21], $0x80, s23, s21, $0xb8;
	[tilespmem:$0x1C200] =	vst v63  }
0xc8: {  	_ =	swait.ge [sflag:s28], $0x4000  }
0xc9: {  	[sflag:s28] =	ssyncset.done $0x0  }
.Ltmp5:
0xca: {  	s7 =	sadd.s32 $0xA000, s7;
	[sflag:s28] =	ssyncadd.s32 $0xFFFFC000;
	(pc) =	sbr.rel @!p1 .LBB2_3-.Ltmp5, $4  }
0xcb: {  	[tilespmem:s4], [sflag:$0x1] =	stream.linear.gather [hbm4b:s7+s4], $0x100, $0x38;
	[tilespmem:$0x1C200] =	vst v63  }
0xcc: {  	_ =	swait.ge [sflag:s29], $0x4000  }
0xcd: {  	[sflag:s29] =	ssyncset.done $0x0  }
0xce: {  	[sflag:s29] =	ssyncadd.s32 $0xFFFFC000  }
0xcf: {  	[spmem:s3] =	stream.indirect.scatter.add.f32 [tilespmem:s26], [sflag:$0x6], $0x80, s30, s21, $0xb8;
	[tilespmem:$0x1C200] =	vst v63  }
0xd0: {  	_ =	swait.ge [sflag:s20], $0x100  }
0xd1: {  	[sflag:s20] =	ssyncset.done $0x0  }
0xd2: {  	[sflag:s20] =	ssyncadd.s32 $0xFFFFFF00  }
0xd3: {  	[tilespmem:s22], [sflag:$0x3] =	stream.indirect.gather [hbm4b:s1+s21], $0x80, s4, s21, $0xb8;
	[tilespmem:$0x1C200] =	vst v63  }
0xd4: {  	_ =	swait.ge [sflag:s31], $0x4000  }
0xd5: {  	[sflag:s31] =	ssyncset.done $0x0  }
0xd6: {  	[sflag:s31] =	ssyncadd.s32 $0xFFFFC000  }
0xd7: {  	[tilespmem:s23], [sflag:$0x2] =	stream.linear.gather [hbm4b:s15+s4], $0x100, $0x38;
	[tilespmem:$0x1C200] =	vst v63  }
0xd8: {  	_ =	swait.ge [sflag:s24], $0x4000  }
0xd9: {  	[sflag:s24] =	ssyncset.done $0x0  }
0xda: {  	[sflag:s24] =	ssyncadd.s32 $0xFFFFC000  }
0xdb: {  	[spmem:s3] =	stream.indirect.scatter.add.f32 [tilespmem:s22], [sflag:$0x5], $0x80, s21, s21, $0xb8;
	[tilespmem:$0x1C200] =	vst v63  }
0xdc: {  	_ =	swait.ge [sflag:s25], $0x100  }
0xdd: {  	[sflag:s25] =	ssyncset.done $0x0  }
0xde: {  	[sflag:s25] =	ssyncadd.s32 $0xFFFFFF00  }
0xdf: {  	[tilespmem:s26], [sflag:$0x4] =	stream.indirect.gather [hbm4b:s1+s21], $0x80, s23, s21, $0xb8;
	[tilespmem:$0x1C200] =	vst v63  }
0xe0: {  	_ =	swait.ge [sflag:s28], $0x4000  }
0xe1: {  	[sflag:s28] =	ssyncset.done $0x0  }
.Ltmp6:
0xe2: {  	[sflag:s28] =	ssyncadd.s32 $0xFFFFC000;
	(pc) =	sbr.rel .LBB2_8-.Ltmp6, $4  }
0xe3: {  	_ =	swait.ge [sflag:s29], $0x4000  }
0xe4: {  	[sflag:s29] =	ssyncset.done $0x0  }
0xe5: {  	s6 =	rddreg [dreg:$0x4];
	[sflag:s29] =	ssyncadd.s32 $0xFFFFC000  }
0xe6: {  	[spmem:s3] =	stream.indirect.scatter.add.f32 [tilespmem:s26], [sflag:$0x6], $0x80, s30, s21, $0xb8;
	[tilespmem:$0x1C200] =	vst v63  }
.LBB2_9:
0xe7: {  	_ =	sfence.sel $0x180000  }
0xe8: {  	[bflag:$0x0] =	sbarrier.arrive $0xFFFF  }
0xe9: {  	_ =	strace $0x9000004A  }
0xea: {  	s0 =	stileid.u32;
	[bflag:$0x2] =	sbarrier.arrive $0xFFFF  }
0xeb: {  	p0 =	sne.s32 s0, $0x0;
	s0 =	rddreg [dreg:$0x3]  }
0xec: {  	s0 =	sadd.s32 @!p0 $0x100000, s0  }
0xed: {  	[sflag:s0] =	ssyncadd.tile.s32 @!p0 $0x1;
	_ =	shalt  }
.Lfunc_end2:
_tile_overlayer_lowered:
.L_overlay_start_2:
0xee: {  	(tag) =	ssettag $0x2  }
0xef: {  	s0 =	rddreg [dreg:$0x0];
	s2 =	stileid.u32  }
0xf0: {  	s1 =	rddreg [dreg:$0x1];
	p0 =	sne.s32 s2, $0x0  }
0xf1: {  	s3 =	rddreg [dreg:$0x2];
	[bflag:$0x3] =	sbarrier.arrive $0xFFFF;
	s2 =	simm.s32 @!p0 $0x1C07  }
0xf2: {  	[timem:s3], [sflag:s2] =	dma.local @!p0 [hbm:s0], s1  }
0xf3: {  	s0 =	simm.s32 @!p0 $0x7  }
0xf4: {  	_ =	swait.ge @!p0 [sflag:s0], s1  }
0xf5: {  	s1 =	ssub.s32 @!p0 $0x0, s1;
	[sflag:s0] =	ssyncset.done @!p0 $0x0  }
0xf6: {  	[sflag:s0] =	ssyncadd.s32 @!p0 s1  }
0xf7: {  	[bflag:$0x3] =	sbarrier.arrive $0xFFFF  }
0xf8: {  	_ =	shalt  }

</sc_bundles>
